<compile_context>
chip_gen: v7x
topology: tpu7x:2x2x1
jax: 0.10.2.dev20260603
libtpu: 0.0.44.dev20260713+nightly
codegen_flags: <defaults>
</compile_context>

<pallas_src>
import functools

import jax
import jax.numpy as jnp
from jax import lax
from jax.experimental import pallas as pl
from jax.experimental.pallas import tpu as pltpu
from jax.experimental.pallas import tpu_sc as plsc

_B = 16
_N = 2048
_H = 0.0005
_ROWS = 1024

_NB_SC = 4
_NW = 32
_RPW = _NB_SC * _N // _NW



def _tc_body(xr_ref, xc_ref, out_ref):
    b = pl.program_id(0)
    r = pl.program_id(1)

    xr = xr_ref[0]
    xc = xc_ref[0]
    sq_r = jnp.sum(xr * xr, axis=1, keepdims=True)
    sq_c = jnp.sum(xc * xc, axis=0, keepdims=True)
    g = jax.lax.dot_general(
        xr.astype(jnp.bfloat16), xc.astype(jnp.bfloat16), (((1,), (0,)), ((), ())),
        preferred_element_type=jnp.float32,
    )
    d2 = jnp.maximum(sq_r + sq_c - 2.0 * g, 0.0)

    inf = jnp.float32(jnp.inf)
    iszero = d2 == 0.0
    n0 = jnp.sum(iszero.astype(jnp.float32), axis=1, keepdims=True)
    dp = jnp.where(iszero, inf, d2)
    m1 = jnp.min(dp, axis=1, keepdims=True)
    e1 = jnp.where(dp == m1, inf, dp)
    m2 = jnp.min(e1, axis=1, keepdims=True)
    e2 = jnp.where(e1 == m2, inf, e1)
    m3 = jnp.min(e2, axis=1, keepdims=True)
    e3 = jnp.where(e2 == m3, inf, e2)
    m4 = jnp.min(e3, axis=1, keepdims=True)
    m5 = jnp.min(jnp.where(e3 == m4, inf, e3), axis=1, keepdims=True)

    f1 = jnp.maximum(_H - m1 * m1, 0.0)
    f2 = jnp.maximum(_H - m2 * m2, 0.0)
    f3 = jnp.maximum(_H - m3 * m3, 0.0)
    f4 = jnp.maximum(_H - m4 * m4, 0.0)
    f5 = jnp.maximum(_H - m5 * m5, 0.0)

    nz5 = jnp.minimum(n0, 5.0)
    npos = 5.0 - nz5
    s_pos = (jnp.where(npos >= 1, f1, 0.0) + jnp.where(npos >= 2, f2, 0.0)
             + jnp.where(npos >= 3, f3, 0.0) + jnp.where(npos >= 4, f4, 0.0)
             + jnp.where(npos >= 5, f5, 0.0))
    maxf = jnp.where(n0 > 0, _H, f1)
    contrib = jnp.sum(nz5 * _H + s_pos - maxf)

    @pl.when(jnp.logical_and(b == 0, r == 0))
    def _():
        out_ref[0, 0] = 0.0

    out_ref[0, 0] += contrib


def _tc_total(xt, pcd, nb):
    return pl.pallas_call(
        _tc_body,
        grid=(nb, _N // _ROWS),
        in_specs=[
            pl.BlockSpec((1, _ROWS, 3), lambda b, r: (b, r, 0)),
            pl.BlockSpec((1, 3, _N), lambda b, r: (b, 0, 0)),
        ],
        out_specs=pl.BlockSpec(memory_space=pltpu.SMEM),
        out_shape=jax.ShapeDtypeStruct((1, 1), jnp.float32),
    )(xt, pcd)[0, 0]



def _sc_body(xb_hbm, out_hbm, x0_v, x1_v, x2_v, sq_v, frow_v, res_v, sem):
    wid = lax.axis_index("s") * 2 + lax.axis_index("c")
    base = wid * _RPW
    b = base // _N
    row0 = base % _N

    xoff = b * 3 * _N
    pltpu.sync_copy(xb_hbm.at[pl.ds(xoff, _N)], x0_v)
    pltpu.sync_copy(xb_hbm.at[pl.ds(xoff + _N, _N)], x1_v)
    pltpu.sync_copy(xb_hbm.at[pl.ds(xoff + 2 * _N, _N)], x2_v)
    def prep_chunk(c, acc):
        sl = pl.ds(c * 16, 16)
        a0, a1, a2 = x0_v[sl], x1_v[sl], x2_v[sl]
        sq_v[sl] = a0 * a0 + a1 * a1 + a2 * a2
        for ref, a in ((x0_v, a0), (x1_v, a1), (x2_v, a2)):
            u = plsc.bitcast(a, jnp.uint32)
            u = (u + jnp.uint32(0x7FFF) + ((u >> jnp.uint32(16)) & jnp.uint32(1))) & jnp.uint32(0xFFFF0000)
            ref[sl] = plsc.bitcast(u, jnp.float32)
        return acc

    lax.fori_loop(0, _N // 16, prep_chunk, 0)

    def row_step(i, total):
        n = row0 + i
        n16 = (n // 16) * 16
        onehot = jnp.where(lax.iota(jnp.int32, 16) == n - n16, 1.0, 0.0)
        slq = pl.ds(n16, 16)
        zero16 = jnp.zeros((16,), jnp.float32)

        def bcast(ref):
            return zero16 + lax.reduce_sum(ref[slq] * onehot, (0,))

        xn0 = bcast(x0_v)
        xn1 = bcast(x1_v)
        xn2 = bcast(x2_v)
        sqn = bcast(sq_v)

        def chunk_step(c, carry):
            s_vec, c_vec, z_vec, m_vec = carry
            sl = pl.ds(c * 16, 16)
            g = xn0 * x0_v[sl] + xn1 * x1_v[sl] + xn2 * x2_v[sl]
            d2 = jnp.maximum((sqn + sq_v[sl]) - 2.0 * g, 0.0)
            isz = d2 == 0.0
            f = jnp.maximum(_H - d2 * d2, 0.0)
            fp = jnp.where(isz, 0.0, f)
            frow_v[sl] = fp
            s_vec = s_vec + fp
            c_vec = c_vec + jnp.where(fp > 0.0, 1.0, 0.0)
            z_vec = z_vec + jnp.where(isz, 1.0, 0.0)
            m_vec = jnp.maximum(m_vec, fp)
            return s_vec, c_vec, z_vec, m_vec

        zero = jnp.zeros((16,), jnp.float32)
        s_vec, c_vec, z_vec, m_vec = lax.fori_loop(
            0, _N // 16, chunk_step, (zero, zero, zero, zero))
        s = lax.reduce_sum(s_vec, (0,))
        cnt = lax.reduce_sum(c_vec, (0,))
        n0 = lax.reduce_sum(z_vec, (0,))
        m1 = lax.reduce_max(m_vec, (0,))

        nz5 = jnp.minimum(n0, 5.0)
        npos = 5.0 - nz5

        def fast(_):
            return s

        def slow(_):
            def next_max(prev):
                def pass_step(c, acc):
                    sl = pl.ds(c * 16, 16)
                    v = frow_v[sl]
                    return jnp.maximum(acc, jnp.where(v < prev, v, 0.0))
                mv = lax.fori_loop(0, _N // 16, pass_step, zero)
                return lax.reduce_max(mv, (0,))
            m2 = next_max(m1)
            m3 = next_max(m2)
            m4 = next_max(m3)
            m5 = next_max(m4)
            return (jnp.where(npos >= 1, m1, 0.0) + jnp.where(npos >= 2, m2, 0.0)
                    + jnp.where(npos >= 3, m3, 0.0) + jnp.where(npos >= 4, m4, 0.0)
                    + jnp.where(npos >= 5, m5, 0.0))

        s_pos = lax.cond(cnt > npos, slow, fast, 0)
        maxf = jnp.where(n0 > 0.0, _H, m1)
        return total + (nz5 * _H + s_pos - maxf)

    total = lax.fori_loop(0, _RPW, row_step, jnp.float32(0.0))
    res_v[...] = jnp.where(lax.iota(jnp.int32, 16) == 0, total, 0.0)
    pltpu.sync_copy(res_v, out_hbm.at[pl.ds(wid * 16, 16)])


@functools.partial(
    pl.kernel,
    mesh=plsc.VectorSubcoreMesh(core_axis_name="c", subcore_axis_name="s"),
    out_type=jax.ShapeDtypeStruct((_NW * 16,), jnp.float32),
    compiler_params=pltpu.CompilerParams(needs_layout_passes=False),
    scratch_types=[
        pltpu.VMEM((_N,), jnp.float32),
        pltpu.VMEM((_N,), jnp.float32),
        pltpu.VMEM((_N,), jnp.float32),
        pltpu.VMEM((_N,), jnp.float32),
        pltpu.VMEM((_N,), jnp.float32),
        pltpu.VMEM((16,), jnp.float32),
        pltpu.SemaphoreType.DMA,
    ],
)
def _sc_kernel(xb_hbm, out_hbm, x0_v, x1_v, x2_v, sq_v, frow_v, res_v, sem):
    _sc_body(xb_hbm, out_hbm, x0_v, x1_v, x2_v, sq_v, frow_v, res_v, sem)


def kernel(pcd):
    sc_parts = _sc_kernel(pcd[:_NB_SC].reshape(-1))
    total = jnp.sum(sc_parts)
    if _NB_SC < _B:
        xt = jnp.transpose(pcd[_NB_SC:], (0, 2, 1))
        total = total + _tc_total(xt, pcd[_NB_SC:], _B - _NB_SC)
    return total / (_B * _N * 4)

# --- scband reference (transcript-rebuilt; emitter-appended) ---
"""Pipeline reference for scband-loss-3040836845617 (READ-ONLY COPY).

The authoritative reference and input builder live on the scoring server;
editing this copy changes nothing except your own understanding.
"""

import jax, jax.numpy as jnp
import numpy as np


def setup_inputs(seed: int = 0) -> dict:
    key = jax.random.key(seed)
    pcd = jax.random.normal(key, (16, 3, 2048), dtype=jnp.float32)
    return {"pcd": pcd}


def reference(pcd):
    # Faithful JAX translation of Loss.get_repulsion_loss (the knn-based core of this
    # module; the class defines no forward(), repulsion loss is the retrieval_knn op).
    h = 0.0005
    # pcd: (B, C, N) -> transpose(1, 2) -> (B, N, C)
    x = jnp.transpose(pcd, (0, 2, 1))
    # knn_points(x, x, K=20, return_sorted=True): squared L2 distances, ascending
    sq = jnp.sum(x * x, axis=-1)  # (B, N)
    d2 = sq[:, :, None] + sq[:, None, :] - 2.0 * jnp.einsum('bnd,bmd->bnm', x, x)
    d2 = jnp.maximum(d2, 0.0)
    neg_topk, _ = jax.lax.top_k(-d2, 20)  # 20 smallest squared dists, sorted asc
    dist = -neg_topk  # (B, N, 20)
    # dist[:, :, 1:5] ** 2  (note: dist is already squared L2, original squares again)
    dist4 = dist[:, :, 1:5] ** 2
    loss = jnp.maximum(-dist4 + h, 0.0)  # torch.clamp(min=0)
    return jnp.mean(loss)

if __name__ == "__main__":
    import jax
    _d = setup_inputs()
    print(jax.jit(kernel)(*tuple(_d.values())))

</pallas_src>

<mosaic_0001>
#map = affine_map<(d0, d1) -> (0)>
module attributes {stable_mosaic.version = 14 : i64} {
  func.func @_sc_kernel(%arg0: i32, %arg1: i32, %arg2: memref<24576xf32, #tpu.memory_space<hbm>>, %arg3: memref<512xf32, #tpu.memory_space<hbm>>, %arg4: memref<2048xf32, #tpu.memory_space<vmem>>, %arg5: memref<2048xf32, #tpu.memory_space<vmem>>, %arg6: memref<2048xf32, #tpu.memory_space<vmem>>, %arg7: memref<2048xf32, #tpu.memory_space<vmem>>, %arg8: memref<2048xf32, #tpu.memory_space<vmem>>, %arg9: memref<16xf32, #tpu.memory_space<vmem>>, %arg10: memref<!tpu.dma_semaphore, #tpu.memory_space<semaphore_mem>>) attributes {dimension_semantics = [#tpu.dimension_semantics<core_parallel>, #tpu.dimension_semantics<subcore_parallel>], iteration_bounds = array<i64: 2, 16>, scalar_prefetch = 0 : i64, scratch_operands = 7 : i64, tpu.core_type = #tpu.core_type<sc_vector_subcore>, window_params = [{transform_indices = #map}, {transform_indices = #map}]} {
    %mul3A = arith.constant 2 : i32
    %mul3A_0 = arith.muli %arg1, %mul3A : i32
    %add3A = arith.addi %mul3A_0, %arg0 : i32
    %mul3A_1 = arith.constant 256 : i32
    %mul3A_2 = arith.muli %add3A, %mul3A_1 : i32
    %jit3A = arith.constant 2048 : i32
    %div3A = arith.divsi %mul3A_2, %jit3A : i32
    %sign3A = arith.constant 0 : i32
    %sign3A_3 = arith.cmpi sgt, %mul3A_2, %sign3A : i32
    %sign3A_4 = arith.extui %sign3A_3 : i1 to i32
    %sign3A_5 = arith.constant 0 : i32
    %sign3A_6 = arith.cmpi slt, %mul3A_2, %sign3A_5 : i32
    %sign3A_7 = arith.extui %sign3A_6 : i1 to i32
    %sign3A_8 = arith.subi %sign3A_4, %sign3A_7 : i32
    %sign3A_9 = arith.constant 0 : i32
    %sign3A_10 = arith.cmpi sgt, %jit3A, %sign3A_9 : i32
    %sign3A_11 = arith.extui %sign3A_10 : i1 to i32
    %sign3A_12 = arith.constant 0 : i32
    %sign3A_13 = arith.cmpi slt, %jit3A, %sign3A_12 : i32
    %sign3A_14 = arith.extui %sign3A_13 : i1 to i32
    %sign3A_15 = arith.subi %sign3A_11, %sign3A_14 : i32
    %ne3A = arith.cmpi ne, %sign3A_8, %sign3A_15 : i32
    %rem3A = arith.remsi %mul3A_2, %jit3A : i32
    %ne3A_16 = arith.constant 0 : i32
    %ne3A_17 = arith.cmpi ne, %rem3A, %ne3A_16 : i32
    %and3A = arith.andi %ne3A, %ne3A_17 : i1
    %sub3A = arith.constant 1 : i32
    %sub3A_18 = arith.subi %div3A, %sub3A : i32
    %select_n3A = arith.select %and3A, %sub3A_18, %div3A : i32
    %jit3A_19 = arith.constant 2048 : i32
    %eq3A = arith.constant 0 : i32
    %eq3A_20 = arith.cmpi eq, %jit3A_19, %eq3A : i32
    %jit3A_21 = arith.constant 1 : i32
    %select_n3A_22 = arith.select %eq3A_20, %jit3A_21, %jit3A_19 : i32
    %rem3A_23 = arith.remsi %mul3A_2, %select_n3A_22 : i32
    %ne3A_24 = arith.constant 0 : i32
    %ne3A_25 = arith.cmpi ne, %rem3A_23, %ne3A_24 : i32
    %lt3A = arith.constant 0 : i32
    %lt3A_26 = arith.cmpi slt, %rem3A_23, %lt3A : i32
    %lt3A_27 = arith.constant 0 : i32
    %lt3A_28 = arith.cmpi slt, %select_n3A_22, %lt3A_27 : i32
    %ne3A_29 = arith.xori %lt3A_26, %lt3A_28 : i1
    %and3A_30 = arith.andi %ne3A_29, %ne3A_25 : i1
    %add3A_31 = arith.addi %rem3A_23, %select_n3A_22 : i32
    %select_n3A_32 = arith.select %and3A_30, %add3A_31, %rem3A_23 : i32
    %mul3A_33 = arith.constant 3 : i32
    %mul3A_34 = arith.muli %select_n3A, %mul3A_33 : i32
    %mul3A_35 = arith.constant 2048 : i32
    %mul3A_36 = arith.muli %mul3A_34, %mul3A_35 : i32
    "tpu.region"() ({
      %run_scoped3A = tpu.sem_alloc : memref<!tpu.dma_semaphore, #tpu.memory_space<semaphore_mem>>
      %dma_start3A = tpu.memref_slice %arg2[%mul3A_36] : memref<24576xf32, #tpu.memory_space<hbm>> -> memref<2048xf32, #tpu.memory_space<hbm>>
      %dma_start3A_62 = tpu.memref_slice %arg2[%mul3A_36] : memref<24576xf32, #tpu.memory_space<hbm>> -> memref<2048xf32, #tpu.memory_space<hbm>>
      tpu.enqueue_dma source(%dma_start3A_62 : memref<2048xf32, #tpu.memory_space<hbm>>) target(%arg4 : memref<2048xf32, #tpu.memory_space<vmem>>) target_semaphore(%run_scoped3A : memref<!tpu.dma_semaphore, #tpu.memory_space<semaphore_mem>>)
      %dma_wait3A = tpu.memref_slice %arg2[%mul3A_36] : memref<24576xf32, #tpu.memory_space<hbm>> -> memref<2048xf32, #tpu.memory_space<hbm>>
      %dma_wait3A_63 = tpu.memref_slice %arg2[%mul3A_36] : memref<24576xf32, #tpu.memory_space<hbm>> -> memref<2048xf32, #tpu.memory_space<hbm>>
      tpu.wait_dma2 semaphore(%run_scoped3A : memref<!tpu.dma_semaphore, #tpu.memory_space<semaphore_mem>>) src(%dma_wait3A_63 : memref<2048xf32, #tpu.memory_space<hbm>>) dst(%arg4 : memref<2048xf32, #tpu.memory_space<vmem>>)
      tpu.yield
    }) : () -> ()
    %add3A_37 = arith.constant 2048 : i32
    %add3A_38 = arith.addi %mul3A_36, %add3A_37 : i32
    "tpu.region"() ({
      %run_scoped3A = tpu.sem_alloc : memref<!tpu.dma_semaphore, #tpu.memory_space<semaphore_mem>>
      %dma_start3A = tpu.memref_slice %arg2[%add3A_38] : memref<24576xf32, #tpu.memory_space<hbm>> -> memref<2048xf32, #tpu.memory_space<hbm>>
      %dma_start3A_62 = tpu.memref_slice %arg2[%add3A_38] : memref<24576xf32, #tpu.memory_space<hbm>> -> memref<2048xf32, #tpu.memory_space<hbm>>
      tpu.enqueue_dma source(%dma_start3A_62 : memref<2048xf32, #tpu.memory_space<hbm>>) target(%arg5 : memref<2048xf32, #tpu.memory_space<vmem>>) target_semaphore(%run_scoped3A : memref<!tpu.dma_semaphore, #tpu.memory_space<semaphore_mem>>)
      %dma_wait3A = tpu.memref_slice %arg2[%add3A_38] : memref<24576xf32, #tpu.memory_space<hbm>> -> memref<2048xf32, #tpu.memory_space<hbm>>
      %dma_wait3A_63 = tpu.memref_slice %arg2[%add3A_38] : memref<24576xf32, #tpu.memory_space<hbm>> -> memref<2048xf32, #tpu.memory_space<hbm>>
      tpu.wait_dma2 semaphore(%run_scoped3A : memref<!tpu.dma_semaphore, #tpu.memory_space<semaphore_mem>>) src(%dma_wait3A_63 : memref<2048xf32, #tpu.memory_space<hbm>>) dst(%arg5 : memref<2048xf32, #tpu.memory_space<vmem>>)
      tpu.yield
    }) : () -> ()
    %add3A_39 = arith.constant 4096 : i32
    %add3A_40 = arith.addi %mul3A_36, %add3A_39 : i32
    "tpu.region"() ({
      %run_scoped3A = tpu.sem_alloc : memref<!tpu.dma_semaphore, #tpu.memory_space<semaphore_mem>>
      %dma_start3A = tpu.memref_slice %arg2[%add3A_40] : memref<24576xf32, #tpu.memory_space<hbm>> -> memref<2048xf32, #tpu.memory_space<hbm>>
      %dma_start3A_62 = tpu.memref_slice %arg2[%add3A_40] : memref<24576xf32, #tpu.memory_space<hbm>> -> memref<2048xf32, #tpu.memory_space<hbm>>
      tpu.enqueue_dma source(%dma_start3A_62 : memref<2048xf32, #tpu.memory_space<hbm>>) target(%arg6 : memref<2048xf32, #tpu.memory_space<vmem>>) target_semaphore(%run_scoped3A : memref<!tpu.dma_semaphore, #tpu.memory_space<semaphore_mem>>)
      %dma_wait3A = tpu.memref_slice %arg2[%add3A_40] : memref<24576xf32, #tpu.memory_space<hbm>> -> memref<2048xf32, #tpu.memory_space<hbm>>
      %dma_wait3A_63 = tpu.memref_slice %arg2[%add3A_40] : memref<24576xf32, #tpu.memory_space<hbm>> -> memref<2048xf32, #tpu.memory_space<hbm>>
      tpu.wait_dma2 semaphore(%run_scoped3A : memref<!tpu.dma_semaphore, #tpu.memory_space<semaphore_mem>>) src(%dma_wait3A_63 : memref<2048xf32, #tpu.memory_space<hbm>>) dst(%arg6 : memref<2048xf32, #tpu.memory_space<vmem>>)
      tpu.yield
    }) : () -> ()
    %scan3A = arith.constant 0 : i32
    %scan3A_41 = arith.constant 0 : i32
    %scan3A_42 = arith.constant 128 : i32
    %scan3A_43 = arith.addi %scan3A_41, %scan3A_42 : i32
    %scan3A_44 = arith.constant 1 : i32
    scf.for %scan3A_62 = %scan3A_41 to %scan3A_43 step %scan3A_44  : i32 {
      %mul3A_63 = arith.constant 16 : i32
      %mul3A_64 = arith.muli %scan3A_62, %mul3A_63 : i32
      %get3A = arith.index_cast %mul3A_64 : i32 to index
      %get3A_65 = tpu.vector_load %arg4[%get3A] {strides = array<i32>} : memref<2048xf32, #tpu.memory_space<vmem>>, vector<16xf32>,
      %get3A_66 = arith.index_cast %mul3A_64 : i32 to index
      %get3A_67 = tpu.vector_load %arg5[%get3A_66] {strides = array<i32>} : memref<2048xf32, #tpu.memory_space<vmem>>, vector<16xf32>,
      %get3A_68 = arith.index_cast %mul3A_64 : i32 to index
      %get3A_69 = tpu.vector_load %arg6[%get3A_68] {strides = array<i32>} : memref<2048xf32, #tpu.memory_space<vmem>>, vector<16xf32>,
      %mul3A_70 = arith.mulf %get3A_65, %get3A_65 : vector<16xf32>
      %mul3A_71 = arith.mulf %get3A_67, %get3A_67 : vector<16xf32>
      %add3A_72 = arith.addf %mul3A_70, %mul3A_71 : vector<16xf32>
      %mul3A_73 = arith.mulf %get3A_69, %get3A_69 : vector<16xf32>
      %add3A_74 = arith.addf %add3A_72, %mul3A_73 : vector<16xf32>
      %swap3A_75 = arith.index_cast %mul3A_64 : i32 to index
      %swap3A_76 = tpu.vector_load %arg7[%swap3A_75] {strides = array<i32>} : memref<2048xf32, #tpu.memory_space<vmem>>, vector<16xf32>,
      tpu.vector_store %arg7[%swap3A_75], %add3A_74 {strides = array<i32>} : memref<2048xf32, #tpu.memory_space<vmem>>, vector<16xf32>,
      %bitcast3A = vector.bitcast %get3A_65 : vector<16xf32> to vector<16xi32>
      %add3A_77 = arith.constant 32767 : i32
      %add3A_78 = vector.broadcast %add3A_77 : i32 to vector<16xi32>
      %add3A_79 = arith.addi %bitcast3A, %add3A_78 : vector<16xi32>
      %shift_right_logical3A = arith.constant 16 : i32
      %shift_right_logical3A_80 = vector.broadcast %shift_right_logical3A : i32 to vector<16xi32>
      %shift_right_logical3A_81 = arith.shrui %bitcast3A, %shift_right_logical3A_80 : vector<16xi32>
      %and3A_82 = arith.constant 1 : i32
      %and3A_83 = vector.broadcast %and3A_82 : i32 to vector<16xi32>
      %and3A_84 = arith.andi %shift_right_logical3A_81, %and3A_83 : vector<16xi32>
      %add3A_85 = arith.addi %add3A_79, %and3A_84 : vector<16xi32>
      %and3A_86 = arith.constant -65536 : i32
      %and3A_87 = vector.broadcast %and3A_86 : i32 to vector<16xi32>
      %and3A_88 = arith.andi %add3A_85, %and3A_87 : vector<16xi32>
      %bitcast3A_89 = vector.bitcast %and3A_88 : vector<16xi32> to vector<16xf32>
      %swap3A_90 = arith.index_cast %mul3A_64 : i32 to index
      %swap3A_91 = tpu.vector_load %arg4[%swap3A_90] {strides = array<i32>} : memref<2048xf32, #tpu.memory_space<vmem>>, vector<16xf32>,
      tpu.vector_store %arg4[%swap3A_90], %bitcast3A_89 {strides = array<i32>} : memref<2048xf32, #tpu.memory_space<vmem>>, vector<16xf32>,
      %bitcast3A_92 = vector.bitcast %get3A_67 : vector<16xf32> to vector<16xi32>
      %add3A_93 = arith.constant 32767 : i32
      %add3A_94 = vector.broadcast %add3A_93 : i32 to vector<16xi32>
      %add3A_95 = arith.addi %bitcast3A_92, %add3A_94 : vector<16xi32>
      %shift_right_logical3A_96 = arith.constant 16 : i32
      %shift_right_logical3A_97 = vector.broadcast %shift_right_logical3A_96 : i32 to vector<16xi32>
      %shift_right_logical3A_98 = arith.shrui %bitcast3A_92, %shift_right_logical3A_97 : vector<16xi32>
      %and3A_99 = arith.constant 1 : i32
      %and3A_100 = vector.broadcast %and3A_99 : i32 to vector<16xi32>
      %and3A_101 = arith.andi %shift_right_logical3A_98, %and3A_100 : vector<16xi32>
      %add3A_102 = arith.addi %add3A_95, %and3A_101 : vector<16xi32>
      %and3A_103 = arith.constant -65536 : i32
      %and3A_104 = vector.broadcast %and3A_103 : i32 to vector<16xi32>
      %and3A_105 = arith.andi %add3A_102, %and3A_104 : vector<16xi32>
      %bitcast3A_106 = vector.bitcast %and3A_105 : vector<16xi32> to vector<16xf32>
      %swap3A_107 = arith.index_cast %mul3A_64 : i32 to index
      %swap3A_108 = tpu.vector_load %arg5[%swap3A_107] {strides = array<i32>} : memref<2048xf32, #tpu.memory_space<vmem>>, vector<16xf32>,
      tpu.vector_store %arg5[%swap3A_107], %bitcast3A_106 {strides = array<i32>} : memref<2048xf32, #tpu.memory_space<vmem>>, vector<16xf32>,
      %bitcast3A_109 = vector.bitcast %get3A_69 : vector<16xf32> to vector<16xi32>
      %add3A_110 = arith.constant 32767 : i32
      %add3A_111 = vector.broadcast %add3A_110 : i32 to vector<16xi32>
      %add3A_112 = arith.addi %bitcast3A_109, %add3A_111 : vector<16xi32>
      %shift_right_logical3A_113 = arith.constant 16 : i32
      %shift_right_logical3A_114 = vector.broadcast %shift_right_logical3A_113 : i32 to vector<16xi32>
      %shift_right_logical3A_115 = arith.shrui %bitcast3A_109, %shift_right_logical3A_114 : vector<16xi32>
      %and3A_116 = arith.constant 1 : i32
      %and3A_117 = vector.broadcast %and3A_116 : i32 to vector<16xi32>
      %and3A_118 = arith.andi %shift_right_logical3A_115, %and3A_117 : vector<16xi32>
      %add3A_119 = arith.addi %add3A_112, %and3A_118 : vector<16xi32>
      %and3A_120 = arith.constant -65536 : i32
      %and3A_121 = vector.broadcast %and3A_120 : i32 to vector<16xi32>
      %and3A_122 = arith.andi %add3A_119, %and3A_121 : vector<16xi32>
      %bitcast3A_123 = vector.bitcast %and3A_122 : vector<16xi32> to vector<16xf32>
      %swap3A_124 = arith.index_cast %mul3A_64 : i32 to index
      %swap3A_125 = tpu.vector_load %arg6[%swap3A_124] {strides = array<i32>} : memref<2048xf32, #tpu.memory_space<vmem>>, vector<16xf32>,
      tpu.vector_store %arg6[%swap3A_124], %bitcast3A_123 {strides = array<i32>} : memref<2048xf32, #tpu.memory_space<vmem>>, vector<16xf32>,
    }
    %scan3A_45 = arith.constant 128 : i32
    %scan3A_46 = arith.constant 0.000000e+00 : f32
    %scan3A_47 = arith.constant 0 : i32
    %scan3A_48 = arith.constant 256 : i32
    %scan3A_49 = arith.addi %scan3A_47, %scan3A_48 : i32
    %scan3A_50 = arith.constant 1 : i32
    %scan3A_51 = scf.for %scan3A_62 = %scan3A_47 to %scan3A_49 step %scan3A_50 iter_args(%scan3A_63 = %scan3A_46) -> (f32)  : i32 {
      %add3A_64 = arith.addi %select_n3A_32, %scan3A_62 : i32
      %jit3A_65 = arith.constant 16 : i32
      %div3A_66 = arith.divsi %add3A_64, %jit3A_65 : i32
      %sign3A_67 = arith.constant 0 : i32
      %sign3A_68 = arith.cmpi sgt, %add3A_64, %sign3A_67 : i32
      %sign3A_69 = arith.extui %sign3A_68 : i1 to i32
      %sign3A_70 = arith.constant 0 : i32
      %sign3A_71 = arith.cmpi slt, %add3A_64, %sign3A_70 : i32
      %sign3A_72 = arith.extui %sign3A_71 : i1 to i32
      %sign3A_73 = arith.subi %sign3A_69, %sign3A_72 : i32
      %sign3A_74 = arith.constant 0 : i32
      %sign3A_75 = arith.cmpi sgt, %jit3A_65, %sign3A_74 : i32
      %sign3A_76 = arith.extui %sign3A_75 : i1 to i32
      %sign3A_77 = arith.constant 0 : i32
      %sign3A_78 = arith.cmpi slt, %jit3A_65, %sign3A_77 : i32
      %sign3A_79 = arith.extui %sign3A_78 : i1 to i32
      %sign3A_80 = arith.subi %sign3A_76, %sign3A_79 : i32
      %ne3A_81 = arith.cmpi ne, %sign3A_73, %sign3A_80 : i32
      %rem3A_82 = arith.remsi %add3A_64, %jit3A_65 : i32
      %ne3A_83 = arith.constant 0 : i32
      %ne3A_84 = arith.cmpi ne, %rem3A_82, %ne3A_83 : i32
      %and3A_85 = arith.andi %ne3A_81, %ne3A_84 : i1
      %sub3A_86 = arith.constant 1 : i32
      %sub3A_87 = arith.subi %div3A_66, %sub3A_86 : i32
      %select_n3A_88 = arith.select %and3A_85, %sub3A_87, %div3A_66 : i32
      %mul3A_89 = arith.constant 16 : i32
      %mul3A_90 = arith.muli %select_n3A_88, %mul3A_89 : i32
      %iota3A_91 = tpu.iota {dimensions = array<i32: 0>} : vector<16xi32>
      %sub3A_92 = arith.subi %add3A_64, %mul3A_90 : i32
      %eq3A_93 = vector.broadcast %sub3A_92 : i32 to vector<16xi32>
      %eq3A_94 = arith.cmpi eq, %iota3A_91, %eq3A_93 : vector<16xi32>
      %jit3A_95 = arith.constant 1.000000e+00 : f32
      %jit3A_96 = arith.constant 0.000000e+00 : f32
      %broadcast_in_dim3A_97 = vector.broadcast %jit3A_95 : f32 to vector<16xf32>
      %broadcast_in_dim3A_98 = vector.broadcast %jit3A_96 : f32 to vector<16xf32>
      %select_n3A_99 = arith.select %eq3A_94, %broadcast_in_dim3A_97, %broadcast_in_dim3A_98 : vector<16xi1>, vector<16xf32>
      %broadcast_in_dim3A_100 = arith.constant 0.000000e+00 : f32
      %broadcast_in_dim3A_101 = vector.broadcast %broadcast_in_dim3A_100 : f32 to vector<16xf32>
      %get3A = arith.index_cast %mul3A_90 : i32 to index
      %get3A_102 = tpu.vector_load %arg4[%get3A] {strides = array<i32>} : memref<2048xf32, #tpu.memory_space<vmem>>, vector<16xf32>,
      %mul3A_103 = arith.mulf %get3A_102, %select_n3A_99 : vector<16xf32>
      %reduce_sum3A = arith.constant true
      %reduce_sum3A_104 = vector.broadcast %reduce_sum3A : i1 to vector<16xi1>
      %reduce_sum3A_105 = tpu.scan <sum>, %mul3A_103 masked %reduce_sum3A_104 : vector<16xf32>, vector<16xi1> -> vector<16xf32>
      %reduce_sum3A_106 = vector.extract %reduce_sum3A_105[15] : f32 from vector<16xf32>
      %add3A_107 = vector.broadcast %reduce_sum3A_106 : f32 to vector<16xf32>
      %add3A_108 = arith.addf %broadcast_in_dim3A_101, %add3A_107 : vector<16xf32>
      %get3A_109 = arith.index_cast %mul3A_90 : i32 to index
      %get3A_110 = tpu.vector_load %arg5[%get3A_109] {strides = array<i32>} : memref<2048xf32, #tpu.memory_space<vmem>>, vector<16xf32>,
      %mul3A_111 = arith.mulf %get3A_110, %select_n3A_99 : vector<16xf32>
      %reduce_sum3A_112 = arith.constant true
      %reduce_sum3A_113 = vector.broadcast %reduce_sum3A_112 : i1 to vector<16xi1>
      %reduce_sum3A_114 = tpu.scan <sum>, %mul3A_111 masked %reduce_sum3A_113 : vector<16xf32>, vector<16xi1> -> vector<16xf32>
      %reduce_sum3A_115 = vector.extract %reduce_sum3A_114[15] : f32 from vector<16xf32>
      %add3A_116 = vector.broadcast %reduce_sum3A_115 : f32 to vector<16xf32>
      %add3A_117 = arith.addf %broadcast_in_dim3A_101, %add3A_116 : vector<16xf32>
      %get3A_118 = arith.index_cast %mul3A_90 : i32 to index
      %get3A_119 = tpu.vector_load %arg6[%get3A_118] {strides = array<i32>} : memref<2048xf32, #tpu.memory_space<vmem>>, vector<16xf32>,
      %mul3A_120 = arith.mulf %get3A_119, %select_n3A_99 : vector<16xf32>
      %reduce_sum3A_121 = arith.constant true
      %reduce_sum3A_122 = vector.broadcast %reduce_sum3A_121 : i1 to vector<16xi1>
      %reduce_sum3A_123 = tpu.scan <sum>, %mul3A_120 masked %reduce_sum3A_122 : vector<16xf32>, vector<16xi1> -> vector<16xf32>
      %reduce_sum3A_124 = vector.extract %reduce_sum3A_123[15] : f32 from vector<16xf32>
      %add3A_125 = vector.broadcast %reduce_sum3A_124 : f32 to vector<16xf32>
      %add3A_126 = arith.addf %broadcast_in_dim3A_101, %add3A_125 : vector<16xf32>
      %get3A_127 = arith.index_cast %mul3A_90 : i32 to index
      %get3A_128 = tpu.vector_load %arg7[%get3A_127] {strides = array<i32>} : memref<2048xf32, #tpu.memory_space<vmem>>, vector<16xf32>,
      %mul3A_129 = arith.mulf %get3A_128, %select_n3A_99 : vector<16xf32>
      %reduce_sum3A_130 = arith.constant true
      %reduce_sum3A_131 = vector.broadcast %reduce_sum3A_130 : i1 to vector<16xi1>
      %reduce_sum3A_132 = tpu.scan <sum>, %mul3A_129 masked %reduce_sum3A_131 : vector<16xf32>, vector<16xi1> -> vector<16xf32>
      %reduce_sum3A_133 = vector.extract %reduce_sum3A_132[15] : f32 from vector<16xf32>
      %add3A_134 = vector.broadcast %reduce_sum3A_133 : f32 to vector<16xf32>
      %add3A_135 = arith.addf %broadcast_in_dim3A_101, %add3A_134 : vector<16xf32>
      %broadcast_in_dim3A_136 = arith.constant 0.000000e+00 : f32
      %broadcast_in_dim3A_137 = vector.broadcast %broadcast_in_dim3A_136 : f32 to vector<16xf32>
      %scan3A_138 = arith.constant 0 : i32
      %scan3A_139 = arith.constant 128 : i32
      %scan3A_140 = arith.addi %scan3A_138, %scan3A_139 : i32
      %scan3A_141 = arith.constant 1 : i32
      %scan3A_142:4 = scf.for %scan3A_174 = %scan3A_138 to %scan3A_140 step %scan3A_141 iter_args(%scan3A_175 = %broadcast_in_dim3A_137, %scan3A_176 = %broadcast_in_dim3A_137, %scan3A_177 = %broadcast_in_dim3A_137, %scan3A_178 = %broadcast_in_dim3A_137) -> (vector<16xf32>, vector<16xf32>, vector<16xf32>, vector<16xf32>)  : i32 {
        %mul3A_179 = arith.constant 16 : i32
        %mul3A_180 = arith.muli %scan3A_174, %mul3A_179 : i32
        %get3A_181 = arith.index_cast %mul3A_180 : i32 to index
        %get3A_182 = tpu.vector_load %arg4[%get3A_181] {strides = array<i32>} : memref<2048xf32, #tpu.memory_space<vmem>>, vector<16xf32>,
        %mul3A_183 = arith.mulf %add3A_108, %get3A_182 : vector<16xf32>
        %get3A_184 = arith.index_cast %mul3A_180 : i32 to index
        %get3A_185 = tpu.vector_load %arg5[%get3A_184] {strides = array<i32>} : memref<2048xf32, #tpu.memory_space<vmem>>, vector<16xf32>,
        %mul3A_186 = arith.mulf %add3A_117, %get3A_185 : vector<16xf32>
        %add3A_187 = arith.addf %mul3A_183, %mul3A_186 : vector<16xf32>
        %get3A_188 = arith.index_cast %mul3A_180 : i32 to index
        %get3A_189 = tpu.vector_load %arg6[%get3A_188] {strides = array<i32>} : memref<2048xf32, #tpu.memory_space<vmem>>, vector<16xf32>,
        %mul3A_190 = arith.mulf %add3A_126, %get3A_189 : vector<16xf32>
        %add3A_191 = arith.addf %add3A_187, %mul3A_190 : vector<16xf32>
        %get3A_192 = arith.index_cast %mul3A_180 : i32 to index
        %get3A_193 = tpu.vector_load %arg7[%get3A_192] {strides = array<i32>} : memref<2048xf32, #tpu.memory_space<vmem>>, vector<16xf32>,
        %add3A_194 = arith.addf %add3A_135, %get3A_193 : vector<16xf32>
        %mul3A_195 = arith.constant 2.000000e+00 : f32
        %mul3A_196 = vector.broadcast %mul3A_195 : f32 to vector<16xf32>
        %mul3A_197 = arith.mulf %mul3A_196, %add3A_191 : vector<16xf32>
        %sub3A_198 = arith.subf %add3A_194, %mul3A_197 : vector<16xf32>
        %max3A = arith.constant 0.000000e+00 : f32
        %max3A_199 = vector.broadcast %max3A : f32 to vector<16xf32>
        %max3A_200 = arith.maximumf %sub3A_198, %max3A_199 : vector<16xf32>
        %eq3A_201 = arith.constant 0.000000e+00 : f32
        %eq3A_202 = vector.broadcast %eq3A_201 : f32 to vector<16xf32>
        %eq3A_203 = arith.cmpf oeq, %max3A_200, %eq3A_202 : vector<16xf32>
        %mul3A_204 = arith.mulf %max3A_200, %max3A_200 : vector<16xf32>
        %sub3A_205 = arith.constant 5.000000e-04 : f32
        %sub3A_206 = vector.broadcast %sub3A_205 : f32 to vector<16xf32>
        %sub3A_207 = arith.subf %sub3A_206, %mul3A_204 : vector<16xf32>
        %max3A_208 = arith.constant 0.000000e+00 : f32
        %max3A_209 = vector.broadcast %max3A_208 : f32 to vector<16xf32>
        %max3A_210 = arith.maximumf %sub3A_207, %max3A_209 : vector<16xf32>
        %jit3A_211 = arith.constant 0.000000e+00 : f32
        %broadcast_in_dim3A_212 = vector.broadcast %jit3A_211 : f32 to vector<16xf32>
        %select_n3A_213 = arith.select %eq3A_203, %broadcast_in_dim3A_212, %max3A_210 : vector<16xi1>, vector<16xf32>
        %swap3A_214 = arith.index_cast %mul3A_180 : i32 to index
        %swap3A_215 = tpu.vector_load %arg8[%swap3A_214] {strides = array<i32>} : memref<2048xf32, #tpu.memory_space<vmem>>, vector<16xf32>,
        tpu.vector_store %arg8[%swap3A_214], %select_n3A_213 {strides = array<i32>} : memref<2048xf32, #tpu.memory_space<vmem>>, vector<16xf32>,
        %add3A_216 = arith.addf %scan3A_175, %select_n3A_213 : vector<16xf32>
        %gt3A_217 = arith.constant 0.000000e+00 : f32
        %gt3A_218 = vector.broadcast %gt3A_217 : f32 to vector<16xf32>
        %gt3A_219 = arith.cmpf ogt, %select_n3A_213, %gt3A_218 : vector<16xf32>
        %jit3A_220 = arith.constant 1.000000e+00 : f32
        %jit3A_221 = arith.constant 0.000000e+00 : f32
        %broadcast_in_dim3A_222 = vector.broadcast %jit3A_220 : f32 to vector<16xf32>
        %broadcast_in_dim3A_223 = vector.broadcast %jit3A_221 : f32 to vector<16xf32>
        %select_n3A_224 = arith.select %gt3A_219, %broadcast_in_dim3A_222, %broadcast_in_dim3A_223 : vector<16xi1>, vector<16xf32>
        %add3A_225 = arith.addf %scan3A_176, %select_n3A_224 : vector<16xf32>
        %jit3A_226 = arith.constant 1.000000e+00 : f32
        %jit3A_227 = arith.constant 0.000000e+00 : f32
        %broadcast_in_dim3A_228 = vector.broadcast %jit3A_226 : f32 to vector<16xf32>
        %broadcast_in_dim3A_229 = vector.broadcast %jit3A_227 : f32 to vector<16xf32>
        %select_n3A_230 = arith.select %eq3A_203, %broadcast_in_dim3A_228, %broadcast_in_dim3A_229 : vector<16xi1>, vector<16xf32>
        %add3A_231 = arith.addf %scan3A_177, %select_n3A_230 : vector<16xf32>
        %max3A_232 = arith.maximumf %scan3A_178, %select_n3A_213 : vector<16xf32>
        scf.yield %add3A_216, %add3A_225, %add3A_231, %max3A_232 : vector<16xf32>, vector<16xf32>, vector<16xf32>, vector<16xf32>
      }
      %scan3A_143 = arith.constant 128 : i32
      %reduce_sum3A_144 = arith.constant true
      %reduce_sum3A_145 = vector.broadcast %reduce_sum3A_144 : i1 to vector<16xi1>
      %reduce_sum3A_146 = tpu.scan <sum>, %scan3A_142#0 masked %reduce_sum3A_145 : vector<16xf32>, vector<16xi1> -> vector<16xf32>
      %reduce_sum3A_147 = vector.extract %reduce_sum3A_146[15] : f32 from vector<16xf32>
      %reduce_sum3A_148 = arith.constant true
      %reduce_sum3A_149 = vector.broadcast %reduce_sum3A_148 : i1 to vector<16xi1>
      %reduce_sum3A_150 = tpu.scan <sum>, %scan3A_142#1 masked %reduce_sum3A_149 : vector<16xf32>, vector<16xi1> -> vector<16xf32>
      %reduce_sum3A_151 = vector.extract %reduce_sum3A_150[15] : f32 from vector<16xf32>
      %reduce_sum3A_152 = arith.constant true
      %reduce_sum3A_153 = vector.broadcast %reduce_sum3A_152 : i1 to vector<16xi1>
      %reduce_sum3A_154 = tpu.scan <sum>, %scan3A_142#2 masked %reduce_sum3A_153 : vector<16xf32>, vector<16xi1> -> vector<16xf32>
      %reduce_sum3A_155 = vector.extract %reduce_sum3A_154[15] : f32 from vector<16xf32>
      %reduce_max3A = arith.constant true
      %reduce_max3A_156 = vector.broadcast %reduce_max3A : i1 to vector<16xi1>
      %reduce_max3A_157 = tpu.scan <max>, %scan3A_142#3 masked %reduce_max3A_156 : vector<16xf32>, vector<16xi1> -> vector<16xf32>
      %reduce_max3A_158 = vector.extract %reduce_max3A_157[15] : f32 from vector<16xf32>
      %min3A = arith.constant 5.000000e+00 : f32
      %min3A_159 = arith.minimumf %reduce_sum3A_155, %min3A : f32
      %sub3A_160 = arith.constant 5.000000e+00 : f32
      %sub3A_161 = arith.subf %sub3A_160, %min3A_159 : f32
      %gt3A = arith.cmpf ogt, %reduce_sum3A_151, %sub3A_161 : f32
      %convert_element_type3A = arith.extui %gt3A : i1 to i32
      %cond3A = arith.constant 0 : i32
      %cond3A_162 = arith.constant 0 : i32
      %cond3A_163 = arith.cmpi ne, %convert_element_type3A, %cond3A_162 : i32
      %cond3A_164 = scf.if %cond3A_163 -> (f32) {
        %scan3A_174 = arith.constant 0 : i32
        %scan3A_175 = arith.constant 128 : i32
        %scan3A_176 = arith.addi %scan3A_174, %scan3A_175 : i32
        %scan3A_177 = arith.constant 1 : i32
        %scan3A_178 = scf.for %scan3A_237 = %scan3A_174 to %scan3A_176 step %scan3A_177 iter_args(%scan3A_238 = %broadcast_in_dim3A_137) -> (vector<16xf32>)  : i32 {
          %mul3A_239 = arith.constant 16 : i32
          %mul3A_240 = arith.muli %scan3A_237, %mul3A_239 : i32
          %get3A_241 = arith.index_cast %mul3A_240 : i32 to index
          %get3A_242 = tpu.vector_load %arg8[%get3A_241] {strides = array<i32>} : memref<2048xf32, #tpu.memory_space<vmem>>, vector<16xf32>,
          %lt3A_243 = vector.broadcast %reduce_max3A_158 : f32 to vector<16xf32>
          %lt3A_244 = arith.cmpf olt, %get3A_242, %lt3A_243 : vector<16xf32>
          %jit3A_245 = arith.constant 0.000000e+00 : f32
          %broadcast_in_dim3A_246 = vector.broadcast %jit3A_245 : f32 to vector<16xf32>
          %select_n3A_247 = arith.select %lt3A_244, %get3A_242, %broadcast_in_dim3A_246 : vector<16xi1>, vector<16xf32>
          %max3A = arith.maximumf %scan3A_238, %select_n3A_247 : vector<16xf32>
          scf.yield %max3A : vector<16xf32>
        }
        %scan3A_179 = arith.constant 128 : i32
        %reduce_max3A_180 = arith.constant true
        %reduce_max3A_181 = vector.broadcast %reduce_max3A_180 : i1 to vector<16xi1>
        %reduce_max3A_182 = tpu.scan <max>, %scan3A_178 masked %reduce_max3A_181 : vector<16xf32>, vector<16xi1> -> vector<16xf32>
        %reduce_max3A_183 = vector.extract %reduce_max3A_182[15] : f32 from vector<16xf32>
        %scan3A_184 = arith.constant 0 : i32
        %scan3A_185 = arith.constant 128 : i32
        %scan3A_186 = arith.addi %scan3A_184, %scan3A_185 : i32
        %scan3A_187 = arith.constant 1 : i32
        %scan3A_188 = scf.for %scan3A_237 = %scan3A_184 to %scan3A_186 step %scan3A_187 iter_args(%scan3A_238 = %broadcast_in_dim3A_137) -> (vector<16xf32>)  : i32 {
          %mul3A_239 = arith.constant 16 : i32
          %mul3A_240 = arith.muli %scan3A_237, %mul3A_239 : i32
          %get3A_241 = arith.index_cast %mul3A_240 : i32 to index
          %get3A_242 = tpu.vector_load %arg8[%get3A_241] {strides = array<i32>} : memref<2048xf32, #tpu.memory_space<vmem>>, vector<16xf32>,
          %lt3A_243 = vector.broadcast %reduce_max3A_183 : f32 to vector<16xf32>
          %lt3A_244 = arith.cmpf olt, %get3A_242, %lt3A_243 : vector<16xf32>
          %jit3A_245 = arith.constant 0.000000e+00 : f32
          %broadcast_in_dim3A_246 = vector.broadcast %jit3A_245 : f32 to vector<16xf32>
          %select_n3A_247 = arith.select %lt3A_244, %get3A_242, %broadcast_in_dim3A_246 : vector<16xi1>, vector<16xf32>
          %max3A = arith.maximumf %scan3A_238, %select_n3A_247 : vector<16xf32>
          scf.yield %max3A : vector<16xf32>
        }
        %scan3A_189 = arith.constant 128 : i32
        %reduce_max3A_190 = arith.constant true
        %reduce_max3A_191 = vector.broadcast %reduce_max3A_190 : i1 to vector<16xi1>
        %reduce_max3A_192 = tpu.scan <max>, %scan3A_188 masked %reduce_max3A_191 : vector<16xf32>, vector<16xi1> -> vector<16xf32>
        %reduce_max3A_193 = vector.extract %reduce_max3A_192[15] : f32 from vector<16xf32>
        %scan3A_194 = arith.constant 0 : i32
        %scan3A_195 = arith.constant 128 : i32
        %scan3A_196 = arith.addi %scan3A_194, %scan3A_195 : i32
        %scan3A_197 = arith.constant 1 : i32
        %scan3A_198 = scf.for %scan3A_237 = %scan3A_194 to %scan3A_196 step %scan3A_197 iter_args(%scan3A_238 = %broadcast_in_dim3A_137) -> (vector<16xf32>)  : i32 {
          %mul3A_239 = arith.constant 16 : i32
          %mul3A_240 = arith.muli %scan3A_237, %mul3A_239 : i32
          %get3A_241 = arith.index_cast %mul3A_240 : i32 to index
          %get3A_242 = tpu.vector_load %arg8[%get3A_241] {strides = array<i32>} : memref<2048xf32, #tpu.memory_space<vmem>>, vector<16xf32>,
          %lt3A_243 = vector.broadcast %reduce_max3A_193 : f32 to vector<16xf32>
          %lt3A_244 = arith.cmpf olt, %get3A_242, %lt3A_243 : vector<16xf32>
          %jit3A_245 = arith.constant 0.000000e+00 : f32
          %broadcast_in_dim3A_246 = vector.broadcast %jit3A_245 : f32 to vector<16xf32>
          %select_n3A_247 = arith.select %lt3A_244, %get3A_242, %broadcast_in_dim3A_246 : vector<16xi1>, vector<16xf32>
          %max3A = arith.maximumf %scan3A_238, %select_n3A_247 : vector<16xf32>
          scf.yield %max3A : vector<16xf32>
        }
        %scan3A_199 = arith.constant 128 : i32
        %reduce_max3A_200 = arith.constant true
        %reduce_max3A_201 = vector.broadcast %reduce_max3A_200 : i1 to vector<16xi1>
        %reduce_max3A_202 = tpu.scan <max>, %scan3A_198 masked %reduce_max3A_201 : vector<16xf32>, vector<16xi1> -> vector<16xf32>
        %reduce_max3A_203 = vector.extract %reduce_max3A_202[15] : f32 from vector<16xf32>
        %scan3A_204 = arith.constant 0 : i32
        %scan3A_205 = arith.constant 128 : i32
        %scan3A_206 = arith.addi %scan3A_204, %scan3A_205 : i32
        %scan3A_207 = arith.constant 1 : i32
        %scan3A_208 = scf.for %scan3A_237 = %scan3A_204 to %scan3A_206 step %scan3A_207 iter_args(%scan3A_238 = %broadcast_in_dim3A_137) -> (vector<16xf32>)  : i32 {
          %mul3A_239 = arith.constant 16 : i32
          %mul3A_240 = arith.muli %scan3A_237, %mul3A_239 : i32
          %get3A_241 = arith.index_cast %mul3A_240 : i32 to index
          %get3A_242 = tpu.vector_load %arg8[%get3A_241] {strides = array<i32>} : memref<2048xf32, #tpu.memory_space<vmem>>, vector<16xf32>,
          %lt3A_243 = vector.broadcast %reduce_max3A_203 : f32 to vector<16xf32>
          %lt3A_244 = arith.cmpf olt, %get3A_242, %lt3A_243 : vector<16xf32>
          %jit3A_245 = arith.constant 0.000000e+00 : f32
          %broadcast_in_dim3A_246 = vector.broadcast %jit3A_245 : f32 to vector<16xf32>
          %select_n3A_247 = arith.select %lt3A_244, %get3A_242, %broadcast_in_dim3A_246 : vector<16xi1>, vector<16xf32>
          %max3A = arith.maximumf %scan3A_238, %select_n3A_247 : vector<16xf32>
          scf.yield %max3A : vector<16xf32>
        }
        %scan3A_209 = arith.constant 128 : i32
        %reduce_max3A_210 = arith.constant true
        %reduce_max3A_211 = vector.broadcast %reduce_max3A_210 : i1 to vector<16xi1>
        %reduce_max3A_212 = tpu.scan <max>, %scan3A_208 masked %reduce_max3A_211 : vector<16xf32>, vector<16xi1> -> vector<16xf32>
        %reduce_max3A_213 = vector.extract %reduce_max3A_212[15] : f32 from vector<16xf32>
        %ge3A = arith.constant 1.000000e+00 : f32
        %ge3A_214 = arith.cmpf oge, %sub3A_161, %ge3A : f32
        %jit3A_215 = arith.constant 0.000000e+00 : f32
        %select_n3A_216 = arith.select %ge3A_214, %reduce_max3A_158, %jit3A_215 : f32
        %ge3A_217 = arith.constant 2.000000e+00 : f32
        %ge3A_218 = arith.cmpf oge, %sub3A_161, %ge3A_217 : f32
        %jit3A_219 = arith.constant 0.000000e+00 : f32
        %select_n3A_220 = arith.select %ge3A_218, %reduce_max3A_183, %jit3A_219 : f32
        %add3A_221 = arith.addf %select_n3A_216, %select_n3A_220 : f32
        %ge3A_222 = arith.constant 3.000000e+00 : f32
        %ge3A_223 = arith.cmpf oge, %sub3A_161, %ge3A_222 : f32
        %jit3A_224 = arith.constant 0.000000e+00 : f32
        %select_n3A_225 = arith.select %ge3A_223, %reduce_max3A_193, %jit3A_224 : f32
        %add3A_226 = arith.addf %add3A_221, %select_n3A_225 : f32
        %ge3A_227 = arith.constant 4.000000e+00 : f32
        %ge3A_228 = arith.cmpf oge, %sub3A_161, %ge3A_227 : f32
        %jit3A_229 = arith.constant 0.000000e+00 : f32
        %select_n3A_230 = arith.select %ge3A_228, %reduce_max3A_203, %jit3A_229 : f32
        %add3A_231 = arith.addf %add3A_226, %select_n3A_230 : f32
        %ge3A_232 = arith.constant 5.000000e+00 : f32
        %ge3A_233 = arith.cmpf oge, %sub3A_161, %ge3A_232 : f32
        %jit3A_234 = arith.constant 0.000000e+00 : f32
        %select_n3A_235 = arith.select %ge3A_233, %reduce_max3A_213, %jit3A_234 : f32
        %add3A_236 = arith.addf %add3A_231, %select_n3A_235 : f32
        scf.yield %add3A_236 : f32
      } else {
        scf.yield %reduce_sum3A_147 : f32
      }
      %gt3A_165 = arith.constant 0.000000e+00 : f32
      %gt3A_166 = arith.cmpf ogt, %reduce_sum3A_155, %gt3A_165 : f32
      %jit3A_167 = arith.constant 5.000000e-04 : f32
      %select_n3A_168 = arith.select %gt3A_166, %jit3A_167, %reduce_max3A_158 : f32
      %mul3A_169 = arith.constant 5.000000e-04 : f32
      %mul3A_170 = arith.mulf %min3A_159, %mul3A_169 : f32
      %add3A_171 = arith.addf %mul3A_170, %cond3A_164 : f32
      %sub3A_172 = arith.subf %add3A_171, %select_n3A_168 : f32
      %add3A_173 = arith.addf %scan3A_63, %sub3A_172 : f32
      scf.yield %add3A_173 : f32
    }
    %scan3A_52 = arith.constant 256 : i32
    %iota3A = tpu.iota {dimensions = array<i32: 0>} : vector<16xi32>
    %eq3A_53 = arith.constant 0 : i32
    %eq3A_54 = vector.broadcast %eq3A_53 : i32 to vector<16xi32>
    %eq3A_55 = arith.cmpi eq, %iota3A, %eq3A_54 : vector<16xi32>
    %jit3A_56 = arith.constant 0.000000e+00 : f32
    %broadcast_in_dim3A = vector.broadcast %scan3A_51 : f32 to vector<16xf32>
    %broadcast_in_dim3A_57 = vector.broadcast %jit3A_56 : f32 to vector<16xf32>
    %select_n3A_58 = arith.select %eq3A_55, %broadcast_in_dim3A, %broadcast_in_dim3A_57 : vector<16xi1>, vector<16xf32>
    %swap3A = arith.constant 0 : index
    %swap3A_59 = tpu.vector_load %arg9[%swap3A] {strides = array<i32>} : memref<16xf32, #tpu.memory_space<vmem>>, vector<16xf32>,
    tpu.vector_store %arg9[%swap3A], %select_n3A_58 {strides = array<i32>} : memref<16xf32, #tpu.memory_space<vmem>>, vector<16xf32>,
    %mul3A_60 = arith.constant 16 : i32
    %mul3A_61 = arith.muli %add3A, %mul3A_60 : i32
    "tpu.region"() ({
      %run_scoped3A = tpu.sem_alloc : memref<!tpu.dma_semaphore, #tpu.memory_space<semaphore_mem>>
      %dma_start3A = tpu.memref_slice %arg3[%mul3A_61] : memref<512xf32, #tpu.memory_space<hbm>> -> memref<16xf32, #tpu.memory_space<hbm>>
      %dma_start3A_62 = tpu.memref_slice %arg3[%mul3A_61] : memref<512xf32, #tpu.memory_space<hbm>> -> memref<16xf32, #tpu.memory_space<hbm>>
      tpu.enqueue_dma source(%arg9 : memref<16xf32, #tpu.memory_space<vmem>>) target(%dma_start3A_62 : memref<16xf32, #tpu.memory_space<hbm>>) target_semaphore(%run_scoped3A : memref<!tpu.dma_semaphore, #tpu.memory_space<semaphore_mem>>)
      %dma_wait3A = tpu.memref_slice %arg3[%mul3A_61] : memref<512xf32, #tpu.memory_space<hbm>> -> memref<16xf32, #tpu.memory_space<hbm>>
      %dma_wait3A_63 = tpu.memref_slice %arg3[%mul3A_61] : memref<512xf32, #tpu.memory_space<hbm>> -> memref<16xf32, #tpu.memory_space<hbm>>
      tpu.wait_dma2 semaphore(%run_scoped3A : memref<!tpu.dma_semaphore, #tpu.memory_space<semaphore_mem>>) src(%arg9 : memref<16xf32, #tpu.memory_space<vmem>>) dst(%dma_wait3A_63 : memref<16xf32, #tpu.memory_space<hbm>>)
      tpu.yield
    }) : () -> ()
    return
  }
}

module attributes {stable_mosaic.version = 14 : i64} {
  func.func @_tc_body(%arg0: i32, %arg1: i32, %arg2: memref<1x1024x3xf32, #tpu.memory_space<vmem>>, %arg3: memref<1x3x2048xf32, #tpu.memory_space<vmem>>, %arg4: memref<1x1xf32, #tpu.memory_space<smem>>) attributes {dimension_semantics = [#tpu.dimension_semantics<arbitrary>, #tpu.dimension_semantics<arbitrary>], iteration_bounds = array<i64: 12, 2>, scalar_prefetch = 0 : i64, scratch_operands = 0 : i64, tpu.core_type = #tpu.core_type<tc>, window_params = [{transform_indices = @transform_0, window_bounds = array<i64: 1, 1024, 3>}, {transform_indices = @transform_1, window_bounds = array<i64: 1, 3, 2048>}, {transform_indices = @transform_2, window_bounds = array<i64: 1, 1>}]} {
    %get3A = arith.constant 0 : index
    %get3A_0 = arith.constant 0 : index
    %get3A_1 = arith.constant 0 : index
    %get3A_2 = vector.load %arg2[%get3A, %get3A_0, %get3A_1] : memref<1x1024x3xf32, #tpu.memory_space<vmem>>, vector<1x1024x3xf32>
    %get3A_3 = vector.shape_cast %get3A_2 : vector<1x1024x3xf32> to vector<1024x3xf32>
    %get3A_4 = arith.constant 0 : index
    %get3A_5 = arith.constant 0 : index
    %get3A_6 = arith.constant 0 : index
    %get3A_7 = vector.load %arg3[%get3A_4, %get3A_5, %get3A_6] : memref<1x3x2048xf32, #tpu.memory_space<vmem>>, vector<1x3x2048xf32>
    %get3A_8 = vector.shape_cast %get3A_7 : vector<1x3x2048xf32> to vector<3x2048xf32>
    %mul3A = arith.mulf %get3A_3, %get3A_3 : vector<1024x3xf32>
    %reduce_sum3A = arith.constant dense<0.000000e+00> : vector<1024xf32>
    %reduce_sum3A_9 = vector.multi_reduction <add>, %mul3A, %reduce_sum3A [1] : vector<1024x3xf32> to vector<1024xf32>
    %broadcast_in_dim3A = vector.shape_cast %reduce_sum3A_9 : vector<1024xf32> to vector<1024x1xf32>
    %mul3A_10 = arith.mulf %get3A_8, %get3A_8 : vector<3x2048xf32>
    %reduce_sum3A_11 = arith.constant dense<0.000000e+00> : vector<2048xf32>
    %reduce_sum3A_12 = vector.multi_reduction <add>, %mul3A_10, %reduce_sum3A_11 [0] : vector<3x2048xf32> to vector<2048xf32>
    %broadcast_in_dim3A_13 = vector.shape_cast %reduce_sum3A_12 : vector<2048xf32> to vector<1x2048xf32>
    %convert_element_type3A = arith.truncf %get3A_3 : vector<1024x3xf32> to vector<1024x3xbf16>
    %convert_element_type3A_14 = arith.truncf %get3A_8 : vector<3x2048xf32> to vector<3x2048xbf16>
    %dot_general3A = arith.constant dense<0.000000e+00> : vector<1024x2048xf32>
    %dot_general3A_15 = tpu.matmul %convert_element_type3A, %convert_element_type3A_14, %dot_general3A {dimension_numbers = #tpu.dot_dimension_numbers<[1], [0], [0], [1], [0, 0, 1, 1], [], []>, transpose_lhs_hint = false} : vector<1024x3xbf16>, vector<3x2048xbf16>, vector<1024x2048xf32> -> vector<1024x2048xf32>
    %add3A = vector.broadcast %broadcast_in_dim3A : vector<1024x1xf32> to vector<1024x2048xf32>
    %add3A_16 = vector.broadcast %broadcast_in_dim3A_13 : vector<1x2048xf32> to vector<1024x2048xf32>
    %add3A_17 = arith.addf %add3A, %add3A_16 : vector<1024x2048xf32>
    %mul3A_18 = arith.constant 2.000000e+00 : f32
    %mul3A_19 = vector.broadcast %mul3A_18 : f32 to vector<1024x2048xf32>
    %mul3A_20 = arith.mulf %mul3A_19, %dot_general3A_15 : vector<1024x2048xf32>
    %sub3A = arith.subf %add3A_17, %mul3A_20 : vector<1024x2048xf32>
    %max3A = arith.constant 0.000000e+00 : f32
    %max3A_21 = vector.broadcast %max3A : f32 to vector<1024x2048xf32>
    %max3A_22 = arith.maximumf %sub3A, %max3A_21 : vector<1024x2048xf32>
    %eq3A = arith.constant 0.000000e+00 : f32
    %eq3A_23 = vector.broadcast %eq3A : f32 to vector<1024x2048xf32>
    %eq3A_24 = arith.cmpf oeq, %max3A_22, %eq3A_23 : vector<1024x2048xf32>
    %convert_element_type3A_25 = arith.extui %eq3A_24 : vector<1024x2048xi1> to vector<1024x2048xi32>
    %convert_element_type3A_26 = arith.sitofp %convert_element_type3A_25 : vector<1024x2048xi32> to vector<1024x2048xf32>
    %reduce_sum3A_27 = arith.constant dense<0.000000e+00> : vector<1024xf32>
    %reduce_sum3A_28 = vector.multi_reduction <add>, %convert_element_type3A_26, %reduce_sum3A_27 [1] : vector<1024x2048xf32> to vector<1024xf32>
    %broadcast_in_dim3A_29 = vector.shape_cast %reduce_sum3A_28 : vector<1024xf32> to vector<1024x1xf32>
    %jit3A = arith.constant 0x7F800000 : f32
    %broadcast_in_dim3A_30 = vector.broadcast %jit3A : f32 to vector<1024x2048xf32>
    %select_n3A = arith.select %eq3A_24, %broadcast_in_dim3A_30, %max3A_22 : vector<1024x2048xi1>, vector<1024x2048xf32>
    %reduce_min3A = arith.constant dense<0x7F800000> : vector<1024xf32>
    %reduce_min3A_31 = vector.multi_reduction <minimumf>, %select_n3A, %reduce_min3A [1] : vector<1024x2048xf32> to vector<1024xf32>
    %broadcast_in_dim3A_32 = vector.shape_cast %reduce_min3A_31 : vector<1024xf32> to vector<1024x1xf32>
    %eq3A_33 = vector.broadcast %broadcast_in_dim3A_32 : vector<1024x1xf32> to vector<1024x2048xf32>
    %eq3A_34 = arith.cmpf oeq, %select_n3A, %eq3A_33 : vector<1024x2048xf32>
    %jit3A_35 = arith.constant 0x7F800000 : f32
    %broadcast_in_dim3A_36 = vector.broadcast %jit3A_35 : f32 to vector<1024x2048xf32>
    %select_n3A_37 = arith.select %eq3A_34, %broadcast_in_dim3A_36, %select_n3A : vector<1024x2048xi1>, vector<1024x2048xf32>
    %reduce_min3A_38 = arith.constant dense<0x7F800000> : vector<1024xf32>
    %reduce_min3A_39 = vector.multi_reduction <minimumf>, %select_n3A_37, %reduce_min3A_38 [1] : vector<1024x2048xf32> to vector<1024xf32>
    %broadcast_in_dim3A_40 = vector.shape_cast %reduce_min3A_39 : vector<1024xf32> to vector<1024x1xf32>
    %eq3A_41 = vector.broadcast %broadcast_in_dim3A_40 : vector<1024x1xf32> to vector<1024x2048xf32>
    %eq3A_42 = arith.cmpf oeq, %select_n3A_37, %eq3A_41 : vector<1024x2048xf32>
    %jit3A_43 = arith.constant 0x7F800000 : f32
    %broadcast_in_dim3A_44 = vector.broadcast %jit3A_43 : f32 to vector<1024x2048xf32>
    %select_n3A_45 = arith.select %eq3A_42, %broadcast_in_dim3A_44, %select_n3A_37 : vector<1024x2048xi1>, vector<1024x2048xf32>
    %reduce_min3A_46 = arith.constant dense<0x7F800000> : vector<1024xf32>
    %reduce_min3A_47 = vector.multi_reduction <minimumf>, %select_n3A_45, %reduce_min3A_46 [1] : vector<1024x2048xf32> to vector<1024xf32>
    %broadcast_in_dim3A_48 = vector.shape_cast %reduce_min3A_47 : vector<1024xf32> to vector<1024x1xf32>
    %eq3A_49 = vector.broadcast %broadcast_in_dim3A_48 : vector<1024x1xf32> to vector<1024x2048xf32>
    %eq3A_50 = arith.cmpf oeq, %select_n3A_45, %eq3A_49 : vector<1024x2048xf32>
    %jit3A_51 = arith.constant 0x7F800000 : f32
    %broadcast_in_dim3A_52 = vector.broadcast %jit3A_51 : f32 to vector<1024x2048xf32>
    %select_n3A_53 = arith.select %eq3A_50, %broadcast_in_dim3A_52, %select_n3A_45 : vector<1024x2048xi1>, vector<1024x2048xf32>
    %reduce_min3A_54 = arith.constant dense<0x7F800000> : vector<1024xf32>
    %reduce_min3A_55 = vector.multi_reduction <minimumf>, %select_n3A_53, %reduce_min3A_54 [1] : vector<1024x2048xf32> to vector<1024xf32>
    %broadcast_in_dim3A_56 = vector.shape_cast %reduce_min3A_55 : vector<1024xf32> to vector<1024x1xf32>
    %eq3A_57 = vector.broadcast %broadcast_in_dim3A_56 : vector<1024x1xf32> to vector<1024x2048xf32>
    %eq3A_58 = arith.cmpf oeq, %select_n3A_53, %eq3A_57 : vector<1024x2048xf32>
    %jit3A_59 = arith.constant 0x7F800000 : f32
    %broadcast_in_dim3A_60 = vector.broadcast %jit3A_59 : f32 to vector<1024x2048xf32>
    %select_n3A_61 = arith.select %eq3A_58, %broadcast_in_dim3A_60, %select_n3A_53 : vector<1024x2048xi1>, vector<1024x2048xf32>
    %reduce_min3A_62 = arith.constant dense<0x7F800000> : vector<1024xf32>
    %reduce_min3A_63 = vector.multi_reduction <minimumf>, %select_n3A_61, %reduce_min3A_62 [1] : vector<1024x2048xf32> to vector<1024xf32>
    %broadcast_in_dim3A_64 = vector.shape_cast %reduce_min3A_63 : vector<1024xf32> to vector<1024x1xf32>
    %mul3A_65 = arith.mulf %broadcast_in_dim3A_32, %broadcast_in_dim3A_32 : vector<1024x1xf32>
    %sub3A_66 = arith.constant 5.000000e-04 : f32
    %sub3A_67 = vector.broadcast %sub3A_66 : f32 to vector<1024x1xf32>
    %sub3A_68 = arith.subf %sub3A_67, %mul3A_65 : vector<1024x1xf32>
    %max3A_69 = arith.constant 0.000000e+00 : f32
    %max3A_70 = vector.broadcast %max3A_69 : f32 to vector<1024x1xf32>
    %max3A_71 = arith.maximumf %sub3A_68, %max3A_70 : vector<1024x1xf32>
    %mul3A_72 = arith.mulf %broadcast_in_dim3A_40, %broadcast_in_dim3A_40 : vector<1024x1xf32>
    %sub3A_73 = arith.constant 5.000000e-04 : f32
    %sub3A_74 = vector.broadcast %sub3A_73 : f32 to vector<1024x1xf32>
    %sub3A_75 = arith.subf %sub3A_74, %mul3A_72 : vector<1024x1xf32>
    %max3A_76 = arith.constant 0.000000e+00 : f32
    %max3A_77 = vector.broadcast %max3A_76 : f32 to vector<1024x1xf32>
    %max3A_78 = arith.maximumf %sub3A_75, %max3A_77 : vector<1024x1xf32>
    %mul3A_79 = arith.mulf %broadcast_in_dim3A_48, %broadcast_in_dim3A_48 : vector<1024x1xf32>
    %sub3A_80 = arith.constant 5.000000e-04 : f32
    %sub3A_81 = vector.broadcast %sub3A_80 : f32 to vector<1024x1xf32>
    %sub3A_82 = arith.subf %sub3A_81, %mul3A_79 : vector<1024x1xf32>
    %max3A_83 = arith.constant 0.000000e+00 : f32
    %max3A_84 = vector.broadcast %max3A_83 : f32 to vector<1024x1xf32>
    %max3A_85 = arith.maximumf %sub3A_82, %max3A_84 : vector<1024x1xf32>
    %mul3A_86 = arith.mulf %broadcast_in_dim3A_56, %broadcast_in_dim3A_56 : vector<1024x1xf32>
    %sub3A_87 = arith.constant 5.000000e-04 : f32
    %sub3A_88 = vector.broadcast %sub3A_87 : f32 to vector<1024x1xf32>
    %sub3A_89 = arith.subf %sub3A_88, %mul3A_86 : vector<1024x1xf32>
    %max3A_90 = arith.constant 0.000000e+00 : f32
    %max3A_91 = vector.broadcast %max3A_90 : f32 to vector<1024x1xf32>
    %max3A_92 = arith.maximumf %sub3A_89, %max3A_91 : vector<1024x1xf32>
    %mul3A_93 = arith.mulf %broadcast_in_dim3A_64, %broadcast_in_dim3A_64 : vector<1024x1xf32>
    %sub3A_94 = arith.constant 5.000000e-04 : f32
    %sub3A_95 = vector.broadcast %sub3A_94 : f32 to vector<1024x1xf32>
    %sub3A_96 = arith.subf %sub3A_95, %mul3A_93 : vector<1024x1xf32>
    %max3A_97 = arith.constant 0.000000e+00 : f32
    %max3A_98 = vector.broadcast %max3A_97 : f32 to vector<1024x1xf32>
    %max3A_99 = arith.maximumf %sub3A_96, %max3A_98 : vector<1024x1xf32>
    %min3A = arith.constant 5.000000e+00 : f32
    %min3A_100 = vector.broadcast %min3A : f32 to vector<1024x1xf32>
    %min3A_101 = arith.minimumf %broadcast_in_dim3A_29, %min3A_100 : vector<1024x1xf32>
    %sub3A_102 = arith.constant 5.000000e+00 : f32
    %sub3A_103 = vector.broadcast %sub3A_102 : f32 to vector<1024x1xf32>
    %sub3A_104 = arith.subf %sub3A_103, %min3A_101 : vector<1024x1xf32>
    %ge3A = arith.constant 1.000000e+00 : f32
    %ge3A_105 = vector.broadcast %ge3A : f32 to vector<1024x1xf32>
    %ge3A_106 = arith.cmpf oge, %sub3A_104, %ge3A_105 : vector<1024x1xf32>
    %jit3A_107 = arith.constant 0.000000e+00 : f32
    %broadcast_in_dim3A_108 = vector.broadcast %jit3A_107 : f32 to vector<1024x1xf32>
    %select_n3A_109 = arith.select %ge3A_106, %max3A_71, %broadcast_in_dim3A_108 : vector<1024x1xi1>, vector<1024x1xf32>
    %ge3A_110 = arith.constant 2.000000e+00 : f32
    %ge3A_111 = vector.broadcast %ge3A_110 : f32 to vector<1024x1xf32>
    %ge3A_112 = arith.cmpf oge, %sub3A_104, %ge3A_111 : vector<1024x1xf32>
    %jit3A_113 = arith.constant 0.000000e+00 : f32
    %broadcast_in_dim3A_114 = vector.broadcast %jit3A_113 : f32 to vector<1024x1xf32>
    %select_n3A_115 = arith.select %ge3A_112, %max3A_78, %broadcast_in_dim3A_114 : vector<1024x1xi1>, vector<1024x1xf32>
    %add3A_116 = arith.addf %select_n3A_109, %select_n3A_115 : vector<1024x1xf32>
    %ge3A_117 = arith.constant 3.000000e+00 : f32
    %ge3A_118 = vector.broadcast %ge3A_117 : f32 to vector<1024x1xf32>
    %ge3A_119 = arith.cmpf oge, %sub3A_104, %ge3A_118 : vector<1024x1xf32>
    %jit3A_120 = arith.constant 0.000000e+00 : f32
    %broadcast_in_dim3A_121 = vector.broadcast %jit3A_120 : f32 to vector<1024x1xf32>
    %select_n3A_122 = arith.select %ge3A_119, %max3A_85, %broadcast_in_dim3A_121 : vector<1024x1xi1>, vector<1024x1xf32>
    %add3A_123 = arith.addf %add3A_116, %select_n3A_122 : vector<1024x1xf32>
    %ge3A_124 = arith.constant 4.000000e+00 : f32
    %ge3A_125 = vector.broadcast %ge3A_124 : f32 to vector<1024x1xf32>
    %ge3A_126 = arith.cmpf oge, %sub3A_104, %ge3A_125 : vector<1024x1xf32>
    %jit3A_127 = arith.constant 0.000000e+00 : f32
    %broadcast_in_dim3A_128 = vector.broadcast %jit3A_127 : f32 to vector<1024x1xf32>
    %select_n3A_129 = arith.select %ge3A_126, %max3A_92, %broadcast_in_dim3A_128 : vector<1024x1xi1>, vector<1024x1xf32>
    %add3A_130 = arith.addf %add3A_123, %select_n3A_129 : vector<1024x1xf32>
    %ge3A_131 = arith.constant 5.000000e+00 : f32
    %ge3A_132 = vector.broadcast %ge3A_131 : f32 to vector<1024x1xf32>
    %ge3A_133 = arith.cmpf oge, %sub3A_104, %ge3A_132 : vector<1024x1xf32>
    %jit3A_134 = arith.constant 0.000000e+00 : f32
    %broadcast_in_dim3A_135 = vector.broadcast %jit3A_134 : f32 to vector<1024x1xf32>
    %select_n3A_136 = arith.select %ge3A_133, %max3A_99, %broadcast_in_dim3A_135 : vector<1024x1xi1>, vector<1024x1xf32>
    %add3A_137 = arith.addf %add3A_130, %select_n3A_136 : vector<1024x1xf32>
    %gt3A = arith.constant 0.000000e+00 : f32
    %gt3A_138 = vector.broadcast %gt3A : f32 to vector<1024x1xf32>
    %gt3A_139 = arith.cmpf ogt, %broadcast_in_dim3A_29, %gt3A_138 : vector<1024x1xf32>
    %jit3A_140 = arith.constant 5.000000e-04 : f32
    %broadcast_in_dim3A_141 = vector.broadcast %jit3A_140 : f32 to vector<1024x1xf32>
    %select_n3A_142 = arith.select %gt3A_139, %broadcast_in_dim3A_141, %max3A_71 : vector<1024x1xi1>, vector<1024x1xf32>
    %mul3A_143 = arith.constant 5.000000e-04 : f32
    %mul3A_144 = vector.broadcast %mul3A_143 : f32 to vector<1024x1xf32>
    %mul3A_145 = arith.mulf %min3A_101, %mul3A_144 : vector<1024x1xf32>
    %add3A_146 = arith.addf %mul3A_145, %add3A_137 : vector<1024x1xf32>
    %sub3A_147 = arith.subf %add3A_146, %select_n3A_142 : vector<1024x1xf32>
    %reduce_sum3A_148 = vector.shape_cast %sub3A_147 : vector<1024x1xf32> to vector<1x1024x1xf32>
    %reduce_sum3A_149 = arith.constant dense<0.000000e+00> : vector<1xf32>
    %reduce_sum3A_150 = vector.multi_reduction <add>, %reduce_sum3A_148, %reduce_sum3A_149 [1, 2] : vector<1x1024x1xf32> to vector<1xf32>
    %reduce_sum3A_151 = vector.shape_cast %reduce_sum3A_150 : vector<1xf32> to vector<1x1x1xf32>
    %reduce_sum3A_152 = vector.extract %reduce_sum3A_151[0, 0, 0] : f32 from vector<1x1x1xf32>
    %eq3A_153 = arith.constant 0 : i32
    %eq3A_154 = arith.cmpi eq, %arg0, %eq3A_153 : i32
    %eq3A_155 = arith.constant 0 : i32
    %eq3A_156 = arith.cmpi eq, %arg1, %eq3A_155 : i32
    %and3A = arith.andi %eq3A_154, %eq3A_156 : i1
    %convert_element_type3A_157 = arith.extui %and3A : i1 to i32
    %cond3A = arith.constant 0 : i32
    %cond3A_158 = arith.cmpi ne, %convert_element_type3A_157, %cond3A : i32
    scf.if %cond3A_158 {
      %swap3A_165 = arith.constant 0.000000e+00 : f32
      %swap3A_166 = arith.constant 0 : index
      %swap3A_167 = arith.constant 0 : index
      %swap3A_168 = memref.load %arg4[%swap3A_166, %swap3A_167] : memref<1x1xf32, #tpu.memory_space<smem>>
      memref.store %swap3A_165, %arg4[%swap3A_166, %swap3A_167] : memref<1x1xf32, #tpu.memory_space<smem>>
    } else {
    }
    %get3A_159 = arith.constant 0 : index
    %get3A_160 = arith.constant 0 : index
    %get3A_161 = memref.load %arg4[%get3A_159, %get3A_160] : memref<1x1xf32, #tpu.memory_space<smem>>
    %add3A_162 = arith.addf %get3A_161, %reduce_sum3A_152 : f32
    %swap3A = arith.constant 0 : index
    %swap3A_163 = arith.constant 0 : index
    %swap3A_164 = memref.load %arg4[%swap3A, %swap3A_163] : memref<1x1xf32, #tpu.memory_space<smem>>
    memref.store %add3A_162, %arg4[%swap3A, %swap3A_163] : memref<1x1xf32, #tpu.memory_space<smem>>
    return
  }
  func.func @transform_0(%arg0: i32, %arg1: i32) -> (i32, i32, i32) {
    %c0_i32 = arith.constant 0 : i32
    %c0_i32_0 = arith.constant 0 : i32
    return %arg0, %arg1, %c0_i32 : i32, i32, i32
  }
  func.func @transform_1(%arg0: i32, %arg1: i32) -> (i32, i32, i32) {
    %c0_i32 = arith.constant 0 : i32
    %c0_i32_0 = arith.constant 0 : i32
    %c0_i32_1 = arith.constant 0 : i32
    return %arg0, %c0_i32, %c0_i32_0 : i32, i32, i32
  }
  func.func @transform_2(%arg0: i32, %arg1: i32) -> (i32, i32) {
    %c0_i32 = arith.constant 0 : i32
    %c0_i32_0 = arith.constant 0 : i32
    %c0_i32_1 = arith.constant 0 : i32
    return %c0_i32, %c0_i32_0 : i32, i32
  }
}

</mosaic_0001>

<sc_bundles>
// kernel: kernel.4.cloned.1.call-start
scs
__scs_entry_jumppad:
0x0: {  	(pc) =	sbr.rel $0x88, $3  }
0x1: {  	(tag) =	ssettag $0x0;
	lr =	simm.s32 $0x1  }
0x2: {  	[smem:$0x3FA0] =	sst lr;
	_ =	strace $0xD0000000  }
0x3: {  	_ = 	snop  }
0x4: {  	_ = 	snop  }
0x5: {  	_ = 	snop  }
0x6: {  	_ = 	snop  }
0x7: {  	_ = 	snop  }
__scs_overlays_trampoline_lowered:
0x8: {  	[smem:$0x3FAF] =	sst s0  }
0x9: {  	[smem:$0x3FB0] =	sst s1  }
0xa: {  	[smem:$0x3FB1] =	sst s2  }
0xb: {  	[smem:$0x3FB2] =	sst s3  }
0xc: {  	[smem:$0x3FB3] =	sst s4  }
0xd: {  	[smem:$0x3FB4] =	sst s5  }
0xe: {  	[smem:$0x3FB5] =	sst s6  }
0xf: {  	[smem:$0x3FB6] =	sst s7  }
0x10: {  	[smem:$0x3FB7] =	sst s8  }
0x11: {  	[smem:$0x3FB8] =	sst s9;
	s0 =	simm.s32 @!p0 $0x0  }
0x12: {  	s1 =	sld [smem:$0x3F9E];
	s0 =	simm.s32 @p0 $0x1  }
0x13: {  	[smem:$0x3FB9] =	sst s0;
	s0 =	simm.s32 @!p1 $0x0  }
0x14: {  	s2 =	sld [smem:$0x3F9D];
	s0 =	simm.s32 @p1 $0x1  }
0x15: {  	[smem:$0x3FBA] =	sst s0;
	s0 =	simm.s32 @!p2 $0x0  }
0x16: {  	s3 =	sld [smem:$0x3FDB];
	s0 =	simm.s32 @p2 $0x1  }
0x17: {  	s4 =	simm.s32 $0x1BF5;
	[smem:$0x3FBC] =	sst s0  }
0x18: {  	s0 =	sld [smem:$0x3F9F];
	_ =	swait.ge [sflag:s4], $0x0  }
0x19: {  	s7 =	sld [smem:$0x3FA0]  }
0x1a: {  	s8 =	sadd.s32 $0xFFFFE003, lr  }
0x1b: {  	s9 =	sadd.s32 $0xFFFFFEF7, lr;
	s5 =	simm.s32 $0xFFFFFFFF;
	p2 =	slt.u32 s8, $0xFFFFF086  }
0x1c: {  	p1 =	slt.u32 s9, $0xF7A;
	s5 =	simm.s32 @!p2 $0x0  }
0x1d: {  	s5 =	simm.s32 @p1 $0x1;
	p0 =	seq.s32 s7, s2  }
0x1e: {  	s7 =	smul.u32 @!p0 $0xF7A, s2;
	p2 =	seq.s32 @!p0 s5, $0x0  }
0x1f: {  	s9 =	smul.u32 $0xF7A, s1;
	s8 =	simm.s32 @!p0 $0x1BF5;
	p2 =	por !p2, p0  }
0x20: {  	[sflag:s8] =	ssyncset.s32 @!p0 $0xFFFFF086;
	s6 =	sadd.s32 @!p0 s3, s7;
	s7 =	simm.s32 @!p0 $0x108  }
0x21: {  	s3 =	sadd.s32 s3, s9;
	s6 =	sadd.s32 @!p0 $0x88, s6;
	s7 =	simm.s32 @p2 $0x1082  }
0x22: {  	[simem:s7], [sflag:s8] =	dma.local @!p0 [hbm:s6], $0xF7A  }
0x23: {  	s9 =	sor.u32 $0xD0000000, s2;
	s6 =	simm.s32 $0x108;
	_ =	swait.ge @!p0 [sflag:s8], $0x0  }
0x24: {  	s3 =	sadd.s32 $0x88, s3;
	s6 =	simm.s32 @!p1 $0x1082;
	[sflag:s4] =	ssyncset.s32 $0xFFFFF086  }
0x25: {  	[simem:s6], [sflag:s4] =	dma.local [hbm:s3], $0xF7A  }
0x26: {  	[smem:$0x3FA0] =	sst s1;
	(tag) =	ssettag s2;
	_ =	strace s9  }
0x27: {  	s1 =	sld [smem:$0x3FB0]  }
0x28: {  	s2 =	sld [smem:$0x3FB1]  }
0x29: {  	s4 =	sld [smem:$0x3FB3]  }
0x2a: {  	p0 =	seq.s32 s5, $0x0;
	s5 =	sld [smem:$0x3FB4]  }
0x2b: {  	s6 =	sld [smem:$0x3FB5]  }
0x2c: {  	s7 =	sld [smem:$0x3FB6]  }
0x2d: {  	s3 =	simm.s32 $0x108;
	s8 =	sld [smem:$0x3FB7]  }
0x2e: {  	s3 =	simm.s32 @!p0 $0x1082;
	s9 =	sld [smem:$0x3FB8]  }
0x2f: {  	lr =	sadd.s32 s0, s3;
	s0 =	sld [smem:$0x3FAF]  }
0x30: {  	s3 =	sld [smem:$0x3FB2]  }
0x31: {  	[smem:$0x3FBB] =	sst s10  }
0x32: {  	s10 =	sld [smem:$0x3FB9];
	_ =	sdelay $0x3  }
0x33: {  	p0 =	seq.s32 s10, $0x1;
	s10 =	sld [smem:$0x3FBB];
	_ =	sdelay $0x3  }
0x34: {  	[smem:$0x3FBB] =	sst s10  }
0x35: {  	s10 =	sld [smem:$0x3FBA];
	_ =	sdelay $0x3  }
0x36: {  	p1 =	seq.s32 s10, $0x1;
	s10 =	sld [smem:$0x3FBB];
	_ =	sdelay $0x3  }
0x37: {  	[smem:$0x3FBB] =	sst s10  }
0x38: {  	s10 =	sld [smem:$0x3FBC]  }
0x39: {  	_ = 	snop;
	(pc) =	sbr.ind lr, $3  }
0x3a: {  	_ = 	snop  }
0x3b: {  	_ = 	snop  }
0x3c: {  	p2 =	seq.s32 s10, $0x1;
	s10 =	sld [smem:$0x3FBB]  }
0x3d: {  	_ =	shalt  }
0x3e: {  	_ =	shalt  }
0x3f: {  	_ =	shalt  }
0x40: {  	_ =	shalt  }
0x41: {  	_ =	shalt  }
0x42: {  	_ =	shalt  }
0x43: {  	_ =	shalt  }
0x44: {  	_ =	shalt  }
0x45: {  	_ =	shalt  }
0x46: {  	_ =	shalt  }
0x47: {  	_ =	shalt  }
0x48: {  	_ =	shalt  }
0x49: {  	_ =	shalt  }
0x4a: {  	_ =	shalt  }
0x4b: {  	_ =	shalt  }
0x4c: {  	_ =	shalt  }
0x4d: {  	_ =	shalt  }
0x4e: {  	_ =	shalt  }
0x4f: {  	_ =	shalt  }
0x50: {  	_ =	shalt  }
0x51: {  	_ =	shalt  }
0x52: {  	_ =	shalt  }
0x53: {  	_ =	shalt  }
0x54: {  	_ =	shalt  }
0x55: {  	_ =	shalt  }
0x56: {  	_ =	shalt  }
0x57: {  	_ =	shalt  }
0x58: {  	_ =	shalt  }
0x59: {  	_ =	shalt  }
0x5a: {  	_ =	shalt  }
0x5b: {  	_ =	shalt  }
0x5c: {  	_ =	shalt  }
0x5d: {  	_ =	shalt  }
0x5e: {  	_ =	shalt  }
0x5f: {  	_ =	shalt  }
0x60: {  	_ =	shalt  }
0x61: {  	_ =	shalt  }
0x62: {  	_ =	shalt  }
0x63: {  	_ =	shalt  }
0x64: {  	_ =	shalt  }
0x65: {  	_ =	shalt  }
0x66: {  	_ =	shalt  }
0x67: {  	_ =	shalt  }
0x68: {  	_ =	shalt  }
0x69: {  	_ =	shalt  }
0x6a: {  	_ =	shalt  }
0x6b: {  	_ =	shalt  }
0x6c: {  	_ =	shalt  }
0x6d: {  	_ =	shalt  }
0x6e: {  	_ =	shalt  }
0x6f: {  	_ =	shalt  }
0x70: {  	_ =	shalt  }
0x71: {  	_ =	shalt  }
0x72: {  	_ =	shalt  }
0x73: {  	_ =	shalt  }
0x74: {  	_ =	shalt  }
0x75: {  	_ =	shalt  }
0x76: {  	_ =	shalt  }
0x77: {  	_ =	shalt  }
0x78: {  	_ =	shalt  }
0x79: {  	_ =	shalt  }
0x7a: {  	_ =	shalt  }
0x7b: {  	_ =	shalt  }
0x7c: {  	_ =	shalt  }
0x7d: {  	_ =	shalt  }
0x7e: {  	_ =	shalt  }
0x7f: {  	_ =	shalt  }
0x80: {  	_ =	shalt  }
0x81: {  	_ =	shalt  }
0x82: {  	_ =	shalt  }
0x83: {  	_ =	shalt  }
0x84: {  	_ =	shalt  }
0x85: {  	_ =	shalt  }
0x86: {  	_ =	shalt  }
0x87: {  	_ =	shalt  }
.Lfunc_end0:
.L_simem_size_0:
called_computation_lowered:
.L_overlay_start_0:
0x88: {  	s2 =	sld [smem:$0x3FD9]  }
0x89: {  	s3 =	sld [smem:$0x3FFE];
	_ =	sdelay $0x1  }
0x8a: {  	s1 =	srdreg.scid  }
0x8b: {  	s0 =	sand.u32 $0x1, s1  }
0x8c: {  	s16 =	sshll.u32 s0, $0xA;
	s2 =	sadd.s32 s3, s2  }
0x8d: {  	s2 =	sadd.s32 s2, s16  }
0x8e: {  	[smem:$0x3FC7] =	sst s2  }
0x8f: {  	_ = 	snop  }
0x90: {  	(tm) =	ssettm $0x1  }
0x91: {  	s17 =	sld [smem:$0x3FFB];
	_ =	sdelay $0x3  }
0x92: {  	_ =	strace s17  }
0x93: {  	s2 =	sld [smem:$0x3FFC];
	_ =	sdelay $0x3  }
0x94: {  	_ =	strace s2  }
0x95: {  	s2 =	sld [smem:$0x3FFD];
	_ =	sdelay $0x3  }
0x96: {  	_ =	strace s2  }
0x97: {  	_ =	strace $0x8FFFFFFF  }
0x98: {  	s18 =	sld [smem:$0x3FDB];
	_ =	sdelay $0x1  }
0x99: {  	s19 =	simm.s32 $_scs_section_size  }
0x9a: {  	s4 =	simm.s32 $_size__tile_overlayer_lowered;
	s5 =	simm.s32 $_tile_overlayer_lowered  }
0x9b: {  	s22 =	simm.s32 $0x1BFF;
	s21 =	sshll.u32 s5, $0x1;
	s2 =	sadd.s32 s19, s18  }
0x9c: {  	s6 =	simm.s32 $0x0;
	s20 =	sshll.u32 s4, $0x1;
	s4 =	sadd.s32 s21, s2  }
0x9d: {  	[timem:s6], [sflag:s22] =	dma.local [hbm:s4], s20  }
0x9e: {  	_ =	swait.ge [sflag:s22], s20  }
0x9f: {  	s3 =	ssub.s32 $0x0, s20;
	[sflag:s22] =	ssyncset.done $0x0  }
0xa0: {  	[sflag:s22] =	ssyncadd.s32 s3;
	_ =	sdelay $0x1  }
0xa1: {  	s23 =	simm.s32 $0x1B8B  }
0xa2: {  	_ =	swait.ge [sflag:s23], $0x1  }
0xa3: {  	[sflag:s23] =	ssyncset.done $0x0  }
0xa4: {  	s25 =	simm.s32 $0x1B8E;
	s24 =	sld [smem:$0x3FFE];
	[sflag:s23] =	ssyncadd.s32 $0xFFFFFFFF  }
0xa5: {  	s26 =	simm.s32 $execute0_lowered;
	[smem:$0x3FD2] =	sst s25  }
0xa6: {  	s4 =	sshll.u32 s26, $0x1;
	_ =	strace $0x80000046;
	[dreg:$0x1] =	wrdreg $0xFFFFFFFF  }
0xa7: {  	s28 =	simm.s32 $_size_execute0_lowered;
	s2 =	sadd.s32 s2, s4;
	[dreg:$0x0] =	wrdreg $0x0  }
0xa8: {  	s4 =	sshll.u32 s28, $0x1;
	[dreg:$0x2] =	wrdreg s2  }
0xa9: {  	[dreg:$0x3] =	wrdreg s4  }
0xaa: {  	[dreg:$0x4] =	wrdreg $0xC0  }
0xab: {  	_ =	task [dreg:s6], $0x5FFFF  }
0xac: {  	[dreg:$0x1] =	wrdreg $0xFFFFFFFF  }
0xad: {  	[dreg:$0x0] =	wrdreg $0x60  }
0xae: {  	[dreg:$0x2] =	wrdreg s24  }
0xaf: {  	[dreg:$0x3] =	wrdreg $0x9  }
0xb0: {  	_ =	task.clear_ibuf [dreg:s6], $0x4FFFF;
	_ =	strace $0x90000046  }
0xb1: {  	s29 =	simm.s32 $0x9;
	_ =	strace $0x80000048  }
0xb2: {  	_ =	swait.ge [sflag:s29], $0x1  }
0xb3: {  	[sflag:s29] =	ssyncadd.s32 $0xFFFFFFFF  }
0xb4: {  	_ =	strace $0x90000048  }
0xb5: {  	_ =	sfence  }
0xb6: {  	s30 =	sld [smem:$0x0];
	_ =	sdelay $0x2  }
0xb7: {  	s31 =	sshll.u32 s1, $0xD;
	s1 =	sshrl.u32 s1, $0x2  }
0xb8: {  	s3 =	sand.u32 $0x4000, s31;
	s1 =	sadd.s32 s1, s30  }
0xb9: {  	s0 =	sor.u32 s3, s0;
	s1 =	sshll.u32 s1, $0x11  }
0xba: {  	s0 =	sor.u32 s1, s0  }
0xbb: {  	s0 =	sadd.s32 $0x8F2B, s0  }
0xbc: {  	[sflag:s0] =	ssyncadd.remote.s32 $0x1  }
0xbd: {  	_ =	sfence.sel $0xFFFF  }
0xbe: {  	[dreg:$0x0] =	wrdreg $0xFFFFFFFF;
	(pc) =	sbr.abs _section_cstart, $3  }
0xbf: {  	[dreg:$0x1] =	wrdreg $0xFFFFFFFF  }
0xc0: {  	_ =	task.clear_ibuf [dreg:s6], $0x2FFFF;
	_ =	strace $0x9FFFFFFF  }
0xc1: {  	(tm) =	ssettm $0x7FFFFFFF  }
tec
execute0_lowered:
.L_overlay_start_1:
0x0: {  	(tag) =	ssettag $0x1  }
0x1: {  	s4 =	rddreg [dreg:$0x0];
	s2 =	srdreg.scid  }
0x2: {  	s1 =	stileid.u32;
	s0 =	rddreg [dreg:$0x1]  }
0x3: {  	s9 =	simm.s32 $0x1;
	s10 =	simm.s32 $0x800;
	s11 =	simm.s32 $0x1000  }
0x4: {  	s12 =	simm.s32 $0x2800;
	s13 =	simm.s32 $0x0;
	s3 =	sand.u32 $0x1, s2  }
0x5: {  	s5 =	sshll.u32 s1, $0x1;
	s2 =	simm.s32 $0x0;
	s6 =	sshrl.u32 s1, $0x2  }
0x6: {  	s5 =	sor.u32 s3, s5;
	[smem:$0x7FF] =	sst s2;
	s6 =	smul.u32 $0x1800, s6  }
.Ltmp0:
0x7: {  	s3 =	ssub.s32 $0x2, s3;
	s7 =	sshll.u32 s5, $0x1;
	(pc) =	sbr.rel .LBB2_1-.Ltmp0, $4  }
0x8: {  	_ =	strace $0x80000047;
	s8 =	sshrl.u32 s3, $0x1;
	s5 =	sshll.u32 s5, $0x8  }
0x9: {  	s7 =	sadd.s32 s7, s4;
	s6 =	sshrl.u32 s6, $0x3;
	s8 =	ssub.s32 s3, s8  }
0xa: {  	s3 =	sand.u32 $0x700, s5;
	s4 =	sadd.s32 s4, s6;
	s7 =	sadd.s32 $0xC00, s7  }
0xb: {  	v0 =	vlaneseq.u32;
	v1 =	vimm.f32 $0.0e+00;
	vm0 =	vcmask $0x300;
	s8 =	smax.u32 s8, $0x1;
	s5 =	sadd.s32 $0x100, s4;
	s6 =	sadd.s32 $0x200, s4  }
.LBB2_17:
0xc: {  	v2 =	vmov s14;
	s13 =	sadd.s32 $0x1, s13  }
0xd: {  	v2 =	vnsel vm0, $0x0, v2;
	p0 =	sne.s32 s13, s8  }
.Ltmp1:
0xe: {  	[tilespmem:$0x2800] =	vst v2;
	(pc) =	sbr.rel @!p0 .LBB2_18-.Ltmp1, $4  }
0xf: {  	[hbm4b:s7+s2] =	stream.linear.scatter [tilespmem:s12], [sflag:$0x1], $0x10, $0x38;
	[tilespmem:$0x2880] =	vst v63  }
0x10: {  	_ =	swait.ge [sflag:s9], $0x10  }
0x11: {  	[sflag:s9] =	ssyncset.done $0x0  }
0x12: {  	[sflag:s9] =	ssyncadd.s32 $0xFFFFFFF0  }
.LBB2_1:
0x13: {  	[tilespmem:s2], [sflag:$0x1] =	stream.linear.gather [hbm4b:s4+s2], $0x800, $0x38;
	[tilespmem:$0x2880] =	vst v63  }
0x14: {  	_ =	swait.ge [sflag:s9], $0x800  }
0x15: {  	[sflag:s9] =	ssyncset.done $0x0  }
0x16: {  	[sflag:s9] =	ssyncadd.s32 $0xFFFFF800  }
0x17: {  	[tilespmem:s10], [sflag:$0x1] =	stream.linear.gather [hbm4b:s5+s2], $0x800, $0x38;
	[tilespmem:$0x2880] =	vst v63  }
0x18: {  	_ =	swait.ge [sflag:s9], $0x800  }
0x19: {  	[sflag:s9] =	ssyncset.done $0x0  }
0x1a: {  	[sflag:s9] =	ssyncadd.s32 $0xFFFFF800  }
0x1b: {  	[tilespmem:s11], [sflag:$0x1] =	stream.linear.gather [hbm4b:s6+s2], $0x800, $0x38;
	[tilespmem:$0x2880] =	vst v63  }
0x1c: {  	_ =	swait.ge [sflag:s9], $0x800  }
0x1d: {  	[sflag:s9] =	ssyncset.done $0x0  }
0x1e: {  	s14 =	simm.s32 $0x0;
	[sflag:s9] =	ssyncadd.s32 $0xFFFFF800  }
0x1f: {  	v2 =	vld [tilespmem:s14+$0x0];
	_ =	sdelay $0x1  }
0x20: {  	v3 =	vld [tilespmem:s14+$0x800]  }
0x21: {  	v4 =	vld [tilespmem:s14+$0x1000];
	_ =	sdelay $0x1  }
0x22: {  	v5 =	vshrl.u32 v2, $0x10  }
0x23: {  	v5 =	vand.u32 $0x1, v5  }
0x24: {  	v6 =	vmul.f32 v2, v2;
	v7 =	vshrl.u32 v3, $0x10;
	v2 =	vadd.s32 v5, v2  }
0x25: {  	v5 =	vand.u32 $0x1, v7;
	v7 =	vshrl.u32 v4, $0x10;
	v2 =	vadd.s32 $0x7FFF, v2  }
0x26: {  	v5 =	vadd.s32 v5, v3;
	v7 =	vand.u32 $0x1, v7;
	v3 =	vmul.f32 v3, v3  }
0x27: {  	v2 =	vand.u32 $0xFFFF0000, v2;
	v5 =	vadd.s32 $0x7FFF, v5;
	v7 =	vadd.s32 v7, v4  }
0x28: {  	s15 =	simm.s32 $0x10;
	[tilespmem:s14+$0x0] =	vst v2;
	v5 =	vand.u32 $0xFFFF0000, v5;
	v7 =	vadd.s32 $0x7FFF, v7  }
0x29: {  	s16 =	simm.s32 $0x80;
	v4 =	vmul.f32 v4, v4;
	v3 =	vadd.f32 v3, v6;
	v2 =	vld [tilespmem:s15+$0x0];
	[tilespmem:s14+$0x800] =	vst v5;
	v5 =	vand.u32 $0xFFFF0000, v7  }
.LBB2_2:
0x2a: {  	p0 =	sne.s32 s16, $0x1FC0;
	v6 =	vld [tilespmem:s15+$0x800];
	[tilespmem:s14+$0x1000] =	vst v5  }
0x2b: {  	v5 =	vld [tilespmem:s15+$0x1000];
	v3 =	vadd.f32 v4, v3;
	_ =	sdelay $0x1  }
0x2c: {  	[tilespmem:s14+$0x1800] =	vst v3;
	s14 =	smov.u32 s15  }
0x2d: {  	v3 =	vmul.f32 v2, v2;
	v4 =	vshrl.u32 v2, $0x10  }
0x2e: {  	v7 =	vmul.f32 v6, v6;
	v4 =	vand.u32 $0x1, v4;
	v8 =	vshrl.u32 v6, $0x10  }
.Ltmp2:
0x2f: {  	v2 =	vadd.s32 v4, v2;
	v4 =	vand.u32 $0x1, v8;
	v8 =	vshrl.u32 v5, $0x10;
	(pc) =	sbr.rel @p0 .LBB2_2-.Ltmp2, $4  }
0x30: {  	v2 =	vadd.s32 $0x7FFF, v2;
	v4 =	vadd.s32 v4, v6;
	v6 =	vand.u32 $0x1, v8  }
0x31: {  	v2 =	vand.u32 $0xFFFF0000, v2;
	v4 =	vadd.s32 $0x7FFF, v4;
	v6 =	vadd.s32 v6, v5  }
0x32: {  	s15 =	sshra.s32 s16, $0x2;
	v3 =	vadd.f32 v7, v3;
	[tilespmem:s14+$0x0] =	vst v2;
	v7 =	vand.u32 $0xFFFF0000, v4;
	v6 =	vadd.s32 $0x7FFF, v6  }
0x33: {  	s16 =	sadd.s32 $0x40, s16;
	v4 =	vmul.f32 v5, v5;
	v2 =	vld [tilespmem:s15+$0x0];
	[tilespmem:s14+$0x800] =	vst v7;
	v5 =	vand.u32 $0xFFFF0000, v6  }
0x34: {  	v6 =	vld [tilespmem:s15+$0x800]  }
0x35: {  	[tilespmem:s14+$0x1000] =	vst v5  }
0x36: {  	v5 =	vld [tilespmem:s15+$0x1000];
	_ =	sdelay $0x1  }
0x37: {  	v3 =	vadd.f32 v4, v3;
	v61 =	vshrl.u32 v2, $0x10  }
0x38: {  	v7 =	vmul.f32 v2, v2;
	v4 =	vand.u32 $0x1, v61;
	v8 =	vshrl.u32 v6, $0x10  }
0x39: {  	v62 =	vmul.f32 v6, v6;
	v2 =	vadd.s32 v4, v2;
	v8 =	vand.u32 $0x1, v8  }
0x3a: {  	v63 =	vshrl.u32 v5, $0x10;
	v6 =	vadd.s32 v8, v6;
	v2 =	vadd.s32 $0x7FFF, v2  }
0x3b: {  	v8 =	vand.u32 $0x1, v63;
	v4 =	vadd.f32 v62, v7;
	v2 =	vand.u32 $0xFFFF0000, v2  }
.Ltmp3:
0x3c: {  	[tilespmem:s14+$0x1800] =	vst v3;
	v6 =	vadd.s32 $0x7FFF, v6;
	v3 =	vadd.s32 v8, v5;
	v5 =	vmul.f32 v5, v5;
	(pc) =	sbr.rel .LBB2_4-.Ltmp3, $4  }
0x3d: {  	[tilespmem:s15+$0x0] =	vst v2;
	v2 =	vand.u32 $0xFFFF0000, v6;
	v3 =	vadd.s32 $0x7FFF, v3  }
0x3e: {  	[tilespmem:s15+$0x800] =	vst v2;
	v2 =	vand.u32 $0xFFFF0000, v3;
	v3 =	vadd.f32 v5, v4  }
0x3f: {  	[tilespmem:s15+$0x1000] =	vst v2  }
0x40: {  	s14 =	simm.f32 $0.0e+00;
	[tilespmem:s15+$0x1800] =	vst v3;
	s15 =	simm.s32 $0x0  }
.LBB2_16:
0x41: {  	s17 =	smul.f32 $5.000000240e-04, s20;
	p0 =	sgt.f32 s19, $0.0e+00  }
0x42: {  	s15 =	sadd.s32 $0x1, s15  }
0x43: {  	s17 =	sadd.f32 s22, s17;
	s16 =	simm.s32 @p0 $0x3A03126F;
	p0 =	sne.s32 s15, $0x100  }
.Ltmp4:
0x44: {  	_ = 	snop;
	(pc) =	sbr.rel @!p0 .LBB2_17-.Ltmp4, $2  }
0x45: {  	s16 =	ssub.f32 s17, s16;
	_ =	sdelay $0x1  }
0x46: {  	s14 =	sadd.f32 s16, s14;
	_ =	sdelay $0x1  }
.LBB2_4:
0x47: {  	s16 =	sor.u32 s3, s15;
	s17 =	sand.u32 $0xF, s15  }
0x48: {  	p0 =	seq.s32 s16, $0x0;
	p1 =	sne.s32 s17, $0x0  }
0x49: {  	p0 =	por !p0, !p1  }
0x4a: {  	s17 =	simm.s32 $0xFFFFFFFF;
	p0 =	por !p0, !p0  }
0x4b: {  	s17 =	simm.s32 @!p0 $0x0  }
0x4c: {  	s17 =	sshll.u32 s17, $0x4  }
0x4d: {  	s17 =	sadd.s32 s16, s17  }
0x4e: {  	s17 =	sand.u32 $0xFFFFFFF0, s17  }
0x4f: {  	v3 =	vld [tilespmem:s17+$0x0]  }
0x50: {  	s16 =	ssub.s32 s16, s17;
	v4 =	vld [tilespmem:s17+$0x800]  }
0x51: {  	v5 =	vld [tilespmem:s17+$0x1000];
	v2 =	vmov s16  }
0x52: {  	vm1 =	veq.s32 v2, v0;
	v2 =	vimm.f32 $0.0e+00  }
0x53: {  	v6 =	vsel vm1, $0x3F800000, v2  }
0x54: {  	v3 =	vmul.f32 v3, v6  }
0x55: {  	v7 =	vld [tilespmem:s17+$0x1800];
	v4 =	vmul.f32 v4, v6  }
0x56: {  	(xrf2) =	vadd.scan.msk.f32 $0xffff, v3;
	v3 =	vmul.f32 v5, v6  }
0x57: {  	(xrf2) =	vadd.scan.msk.f32 $0xffff, v4  }
0x58: {  	(xrf2) =	vadd.scan.msk.f32 $0xffff, v3;
	_ =	sdelay $0x1  }
0x59: {  	v3 =	vmul.f32 v7, v6;
	_ =	sdelay $0x1  }
0x5a: {  	(xrf2) =	vadd.scan.msk.f32 $0xffff, v3;
	_ =	sdelay $0x2  }
0x5b: {  	s19 =	simm.s32 $0x0  }
0x5c: {  	v6 =	vld [tilespmem:s19+$0x0];
	v3, _, _ =	vpop (xrf2)  }
0x5d: {  	v7 =	vld [tilespmem:s19+$0x800];
	v4, _, _ =	vpop (xrf2)  }
0x5e: {  	v3 =	vadd.f32 $0.0e+00, v3;
	v5, _, _ =	vpop (xrf2);
	v4 =	vadd.f32 $0.0e+00, v4  }
0x5f: {  	v9 =	vld [tilespmem:s19+$0x1000];
	v8 =	vadd.f32 $0.0e+00, v5  }
0x60: {  	s16 =	simm.s32 $0x10;
	v5 =	vbroadcast v3, $0xF;
	v4 =	vbroadcast v4, $0xF  }
0x61: {  	v11 =	vld [tilespmem:s16+$0x0];
	v3 =	vbroadcast v8, $0xF  }
0x62: {  	v12 =	vld [tilespmem:s16+$0x800];
	v10, _, _ =	vpop (xrf2);
	v6 =	vmul.f32 v6, v5;
	v7 =	vmul.f32 v7, v4  }
0x63: {  	v8 =	vld [tilespmem:s19+$0x1800];
	v10 =	vadd.f32 $0.0e+00, v10  }
0x64: {  	v9 =	vmul.f32 v9, v3;
	v7 =	vadd.f32 v7, v6  }
0x65: {  	v6 =	vbroadcast v10, $0xF;
	v10 =	vld [tilespmem:s16+$0x1000]  }
0x66: {  	v7 =	vadd.f32 v9, v7  }
0x67: {  	s17 =	simm.s32 $0x20;
	v11 =	vmul.f32 v11, v5  }
0x68: {  	v13 =	vld [tilespmem:s17+$0x0];
	v12 =	vmul.f32 v12, v4;
	v8 =	vadd.f32 v8, v6;
	v7 =	vadd.f32 v7, v7  }
0x69: {  	v9 =	vld [tilespmem:s16+$0x1800]  }
0x6a: {  	s18 =	simm.s32 $0x30;
	v14 =	vld [tilespmem:s17+$0x800];
	v10 =	vmul.f32 v10, v3;
	v7 =	vsub.f32 v8, v7;
	v8 =	vadd.f32 v12, v11  }
0x6b: {  	v15 =	vld [tilespmem:s18+$0x0]  }
0x6c: {  	v11 =	vld [tilespmem:s17+$0x1000];
	v8 =	vadd.f32 v10, v8  }
0x6d: {  	v7 =	vmax.f32 v7, $0.0e+00;
	v10 =	vld [tilespmem:s17+$0x1800]  }
0x6e: {  	v9 =	vadd.f32 v9, v6;
	v12 =	vmul.f32 v7, v7;
	v8 =	vadd.f32 v8, v8  }
0x6f: {  	v16 =	vmul.f32 v13, v5;
	v14 =	vmul.f32 v14, v4  }
0x70: {  	v15 =	vmul.f32 v15, v5;
	v12 =	vsub.f32 $5.000000240e-04, v12;
	v8 =	vsub.f32 v9, v8  }
0x71: {  	vm1 =	veq.f32 v7, $0.0e+00;
	v7 =	vadd.f32 v14, v16;
	v9 =	vmul.f32 v11, v3  }
0x72: {  	v13 =	vld [tilespmem:s18+$0x800];
	v12 =	vmax.f32 v12, $0.0e+00;
	v11 =	vadd.f32 v10, v6;
	v10 =	vmax.f32 v8, $0.0e+00  }
0x73: {  	v14 =	vld [tilespmem:s18+$0x1800];
	v8 =	vsel vm1, $0x0, v12;
	v12 =	vsel vm1, $0x3F800000, v1;
	v17 =	vadd.f32 v9, v7  }
0x74: {  	s20 =	simm.s32 $0x100;
	v16 =	vld [tilespmem:s18+$0x1000];
	v7 =	vimm.f32 $0.0e+00;
	[tilespmem:s19+$0x2000] =	vst v8;
	v9 =	vadd.f32 v12, v2;
	v12 =	vimm.f32 $0.0e+00  }
.LBB2_5:
0x75: {  	s19 =	sshra.s32 s20, $0x2;
	p0 =	sne.s32 s20, $0x1FC0;
	s20 =	sadd.s32 $0x40, s20;
	v18 =	vmul.f32 v10, v10;
	v2 =	vadd.f32 v8, v2;
	vm1 =	vgt.f32 v8, $0.0e+00  }
0x76: {  	v7 =	vmax.f32 v7, v8;
	v19 =	vld [tilespmem:s19+$0x0];
	v17 =	vadd.f32 v17, v17;
	v20 =	vsel vm1, $0x3F800000, v1  }
.Ltmp5:
0x77: {  	v8 =	vmul.f32 v13, v4;
	v13 =	vld [tilespmem:s19+$0x800];
	v18 =	vsub.f32 $5.000000240e-04, v18;
	v12 =	vadd.f32 v20, v12;
	(pc) =	sbr.rel @p0 .LBB2_5-.Ltmp5, $4  }
0x78: {  	vm1 =	veq.f32 v10, $0.0e+00;
	v17 =	vsub.f32 v11, v17;
	v11 =	vadd.f32 v14, v6  }
0x79: {  	v20 =	vadd.f32 v8, v15;
	v21 =	vmul.f32 v16, v3;
	v8 =	vmax.f32 v18, $0.0e+00  }
0x7a: {  	v18 =	vsel vm1, $0x3F800000, v1;
	v14 =	vld [tilespmem:s19+$0x1800];
	v10 =	vmax.f32 v17, $0.0e+00;
	v8 =	vsel vm1, $0x0, v8  }
0x7b: {  	v9 =	vadd.f32 v18, v9;
	v15 =	vmul.f32 v19, v5;
	v16 =	vld [tilespmem:s19+$0x1000];
	v17 =	vadd.f32 v21, v20;
	[tilespmem:s16+$0x2000] =	vst v8;
	s16 =	smov.u32 s17;
	s17 =	smov.u32 s18;
	s18 =	smov.u32 s19  }
0x7c: {  	_ =	sdelay $0x1  }
0x7d: {  	v4 =	vmul.f32 v13, v4;
	_ =	sdelay $0x1  }
0x7e: {  	v4 =	vadd.f32 v4, v15;
	v3 =	vmul.f32 v16, v3  }
0x7f: {  	v5 =	vadd.f32 v17, v17  }
0x80: {  	v3 =	vadd.f32 v3, v4  }
0x81: {  	v48 =	vmul.f32 v10, v10;
	v5 =	vsub.f32 v11, v5  }
0x82: {  	vm1 =	vgt.f32 v8, $0.0e+00;
	v6 =	vadd.f32 v14, v6;
	v3 =	vadd.f32 v3, v3  }
0x83: {  	v49 =	vsel vm1, $0x3F800000, v1;
	v5 =	vmax.f32 v5, $0.0e+00  }
0x84: {  	v4 =	vsub.f32 $5.000000240e-04, v48;
	v50 =	vmul.f32 v5, v5;
	v3 =	vsub.f32 v6, v3  }
0x85: {  	v2 =	vadd.f32 v8, v2;
	vm1 =	veq.f32 v10, $0.0e+00;
	v51 =	vadd.f32 v49, v12  }
0x86: {  	v4 =	vmax.f32 v4, $0.0e+00;
	v52 =	vsub.f32 $5.000000240e-04, v50;
	v3 =	vmax.f32 v3, $0.0e+00  }
0x87: {  	v53 =	vsel vm1, $0x3F800000, v1;
	v4 =	vsel vm1, $0x0, v4;
	v54 =	vmul.f32 v3, v3  }
0x88: {  	vm2 =	veq.f32 v5, $0.0e+00;
	vm1 =	vgt.f32 v4, $0.0e+00;
	v55 =	vmax.f32 v52, $0.0e+00  }
0x89: {  	v56 =	vsel vm1, $0x3F800000, v1;
	v5 =	vsel vm2, $0x0, v55;
	v12 =	vsub.f32 $5.000000240e-04, v54  }
0x8a: {  	v2 =	vadd.f32 v4, v2;
	v6 =	vadd.f32 v56, v51;
	vm1 =	vgt.f32 v5, $0.0e+00  }
0x8b: {  	v57 =	vsel vm1, $0x3F800000, v1;
	vm1 =	veq.f32 v3, $0.0e+00;
	v3 =	vmax.f32 v12, $0.0e+00  }
0x8c: {  	v9 =	vadd.f32 v53, v9;
	v2 =	vadd.f32 v5, v2;
	v3 =	vsel vm1, $0x0, v3  }
0x8d: {  	v58 =	vsel vm2, $0x3F800000, v1;
	v6 =	vadd.f32 v57, v6;
	vm2 =	vgt.f32 v3, $0.0e+00  }
0x8e: {  	v9 =	vadd.f32 v58, v9;
	v2 =	vadd.f32 v3, v2;
	v59 =	vsel vm2, $0x3F800000, v1  }
0x8f: {  	v60 =	vsel vm1, $0x3F800000, v1;
	v6 =	vadd.f32 v59, v6  }
0x90: {  	v9 =	vadd.f32 v60, v9;
	(xrf2) =	vadd.scan.msk.f32 $0xffff, v2  }
0x91: {  	(xrf2) =	vadd.scan.msk.f32 $0xffff, v6  }
0x92: {  	(xrf2) =	vadd.scan.msk.f32 $0xffff, v9;
	_ =	sdelay $0x7  }
0x93: {  	v61, _, _ =	vpop (xrf2)  }
0x94: {  	v2 =	vmax.f32 v7, v8;
	(v2sf) =	vpush v61, $0xF;
	v62, _, _ =	vpop (xrf2)  }
0x95: {  	v2 =	vmax.f32 v2, v4;
	(v2sf) =	vpush v62, $0xF;
	v63, _, _ =	vpop (xrf2)  }
0x96: {  	v2 =	vmax.f32 v2, v5;
	(v2sf) =	vpush v63, $0xF  }
0x97: {  	v2 =	vmax.f32 v2, v3  }
0x98: {  	(xrf0) =	vmax.scan.msk.f32 $0xffff, v2;
	_ =	sdelay $0x5  }
0x99: {  	v2, _, _ =	vpop (xrf0)  }
0x9a: {  	(v2sf) =	vpush v2, $0xF;
	_ =	sdelay $0x3  }
0x9b: {  	s22 =	spop (v2sf)  }
0x9c: {  	s23 =	spop (v2sf)  }
0x9d: {  	s19 =	spop (v2sf)  }
0x9e: {  	s20 =	smin.f32 s19, $5.000000000e+00  }
0x9f: {  	s21 =	ssub.f32 $5.000000000e+00, s20;
	_ =	sdelay $0x1  }
0xa0: {  	p0 =	sgt.f32 s23, s21  }
.Ltmp6:
0xa1: {  	_ = 	snop;
	(pc) =	sbr.rel @!p0 .LBB2_16-.Ltmp6, $4  }
0xa2: {  	_ = 	snop  }
0xa3: {  	[tilespmem:s16+$0x2000] =	vst v4  }
0xa4: {  	[tilespmem:s17+$0x2000] =	vst v5  }
0xa5: {  	[tilespmem:s18+$0x2000] =	vst v3;
	s16 =	spop (v2sf)  }
0xa6: {  	s18 =	simm.s32 $0x0  }
0xa7: {  	v4 =	vld [tilespmem:s18+$0x2000]  }
0xa8: {  	v3 =	vbroadcast v2, $0xF;
	v2 =	vimm.f32 $0.0e+00;
	s17 =	simm.s32 $0x40  }
.LBB2_8:
0xa9: {  	p0 =	sne.s32 s17, $0x1FC0  }
.Ltmp7:
0xaa: {  	_ = 	snop;
	(pc) =	sbr.rel @p0 .LBB2_8-.Ltmp7, $4  }
0xab: {  	_ = 	snop  }
0xac: {  	s18 =	sshra.s32 s17, $0x2;
	s17 =	sadd.s32 $0x40, s17;
	vm1 =	vlt.f32 v4, v3  }
0xad: {  	v5 =	vnsel vm1, $0x0, v4;
	v4 =	vld [tilespmem:s18+$0x2000]  }
0xae: {  	v2 =	vmax.f32 v2, v5  }
0xaf: {  	_ =	sdelay $0x2  }
0xb0: {  	vm1 =	vlt.f32 v4, v3  }
0xb1: {  	v3 =	vnsel vm1, $0x0, v4  }
0xb2: {  	v2 =	vmax.f32 v2, v3  }
0xb3: {  	(xrf0) =	vmax.scan.msk.f32 $0xffff, v2;
	_ =	sdelay $0x4  }
0xb4: {  	s18 =	simm.s32 $0x0  }
0xb5: {  	v5 =	vld [tilespmem:s18+$0x2000];
	v2, _, _ =	vpop (xrf0)  }
0xb6: {  	s17 =	simm.s32 $0x40;
	v3 =	vimm.f32 $0.0e+00;
	v4 =	vbroadcast v2, $0xF  }
.LBB2_10:
0xb7: {  	p0 =	sne.s32 s17, $0x1FC0  }
.Ltmp8:
0xb8: {  	_ = 	snop;
	(pc) =	sbr.rel @p0 .LBB2_10-.Ltmp8, $4  }
0xb9: {  	_ = 	snop  }
0xba: {  	s18 =	sshra.s32 s17, $0x2;
	s17 =	sadd.s32 $0x40, s17;
	vm1 =	vlt.f32 v5, v4  }
0xbb: {  	v6 =	vnsel vm1, $0x0, v5;
	v5 =	vld [tilespmem:s18+$0x2000]  }
0xbc: {  	v3 =	vmax.f32 v3, v6  }
0xbd: {  	_ =	sdelay $0x2  }
0xbe: {  	vm1 =	vlt.f32 v5, v4  }
0xbf: {  	v4 =	vnsel vm1, $0x0, v5  }
0xc0: {  	v3 =	vmax.f32 v3, v4  }
0xc1: {  	(xrf0) =	vmax.scan.msk.f32 $0xffff, v3;
	_ =	sdelay $0x4  }
0xc2: {  	s18 =	simm.s32 $0x0  }
0xc3: {  	v6 =	vld [tilespmem:s18+$0x2000];
	v3, _, _ =	vpop (xrf0)  }
0xc4: {  	s17 =	simm.s32 $0x40;
	v4 =	vimm.f32 $0.0e+00;
	v5 =	vbroadcast v3, $0xF  }
.LBB2_12:
0xc5: {  	p0 =	sne.s32 s17, $0x1FC0  }
.Ltmp9:
0xc6: {  	_ = 	snop;
	(pc) =	sbr.rel @p0 .LBB2_12-.Ltmp9, $4  }
0xc7: {  	_ = 	snop  }
0xc8: {  	s18 =	sshra.s32 s17, $0x2;
	s17 =	sadd.s32 $0x40, s17;
	vm1 =	vlt.f32 v6, v5  }
0xc9: {  	v7 =	vnsel vm1, $0x0, v6;
	v6 =	vld [tilespmem:s18+$0x2000]  }
0xca: {  	v4 =	vmax.f32 v4, v7  }
0xcb: {  	_ =	sdelay $0x2  }
0xcc: {  	vm1 =	vlt.f32 v6, v5  }
0xcd: {  	v5 =	vnsel vm1, $0x0, v6  }
0xce: {  	v4 =	vmax.f32 v4, v5  }
0xcf: {  	(xrf0) =	vmax.scan.msk.f32 $0xffff, v4;
	_ =	sdelay $0x4  }
0xd0: {  	s18 =	simm.s32 $0x0  }
0xd1: {  	v7 =	vld [tilespmem:s18+$0x2000];
	v4, _, _ =	vpop (xrf0)  }
0xd2: {  	s17 =	simm.s32 $0x40;
	v5 =	vimm.f32 $0.0e+00;
	v6 =	vbroadcast v4, $0xF  }
.LBB2_14:
0xd3: {  	p0 =	sne.s32 s17, $0x1FC0  }
.Ltmp10:
0xd4: {  	_ = 	snop;
	(pc) =	sbr.rel @p0 .LBB2_14-.Ltmp10, $4  }
0xd5: {  	_ = 	snop  }
0xd6: {  	s18 =	sshra.s32 s17, $0x2;
	s17 =	sadd.s32 $0x40, s17;
	vm1 =	vlt.f32 v7, v6  }
0xd7: {  	v8 =	vnsel vm1, $0x0, v7;
	v7 =	vld [tilespmem:s18+$0x2000]  }
0xd8: {  	v5 =	vmax.f32 v5, v8  }
0xd9: {  	_ =	sdelay $0x2  }
0xda: {  	vm1 =	vlt.f32 v7, v6  }
0xdb: {  	v6 =	vnsel vm1, $0x0, v7  }
0xdc: {  	v5 =	vmax.f32 v5, v6  }
0xdd: {  	(xrf0) =	vmax.scan.msk.f32 $0xffff, v5  }
0xde: {  	(v2sf) =	vpush v2, $0xF;
	_ =	sdelay $0x1  }
0xdf: {  	(v2sf) =	vpush v3, $0xF  }
0xe0: {  	(v2sf) =	vpush v4, $0xF;
	_ =	sdelay $0x1  }
0xe1: {  	v2, _, _ =	vpop (xrf0)  }
0xe2: {  	(v2sf) =	vpush v2, $0xF;
	_ =	sdelay $0x7  }
0xe3: {  	p0 =	sge.f32 s21, $1.000000000e+00;
	p1 =	sge.f32 s21, $2.000000000e+00  }
0xe4: {  	s17 =	smov.u32 s16;
	s18 =	spop (v2sf)  }
0xe5: {  	s17 =	simm.s32 @!p0 $0x0;
	p0 =	sge.f32 s21, $3.000000000e+00;
	s18 =	simm.s32 @!p1 $0x0  }
0xe6: {  	s22 =	spop (v2sf);
	s17 =	sadd.f32 s18, s17  }
0xe7: {  	s22 =	simm.s32 @!p0 $0x0;
	p0 =	sge.f32 s21, $4.000000000e+00;
	s18 =	spop (v2sf)  }
.Ltmp11:
0xe8: {  	s17 =	sadd.f32 s22, s17;
	(pc) =	sbr.rel .LBB2_16-.Ltmp11, $4  }
0xe9: {  	s18 =	simm.s32 @!p0 $0x0;
	p0 =	sge.f32 s21, $5.000000000e+00  }
0xea: {  	s17 =	sadd.f32 s18, s17;
	s21 =	spop (v2sf)  }
0xeb: {  	s21 =	simm.s32 @!p0 $0x0  }
0xec: {  	s22 =	sadd.f32 s21, s17  }
.LBB2_18:
0xed: {  	_ =	sfence.sel $0x180000  }
0xee: {  	[bflag:$0x0] =	sbarrier.arrive $0xFFFF  }
0xef: {  	p0 =	sne.s32 s1, $0x0;
	_ =	strace $0x90000047  }
0xf0: {  	s0 =	sadd.s32 @!p0 $0x100000, s0;
	[bflag:$0x2] =	sbarrier.arrive $0xFFFF  }
0xf1: {  	[sflag:s0] =	ssyncadd.tile.s32 @!p0 $0x1;
	_ =	shalt  }
.Lfunc_end2:
_tile_overlayer_lowered:
.L_overlay_start_2:
0xf2: {  	(tag) =	ssettag $0x2  }
0xf3: {  	s0 =	rddreg [dreg:$0x0];
	s2 =	stileid.u32  }
0xf4: {  	s1 =	rddreg [dreg:$0x1];
	p0 =	sne.s32 s2, $0x0  }
0xf5: {  	s3 =	rddreg [dreg:$0x2];
	[bflag:$0x3] =	sbarrier.arrive $0xFFFF;
	s2 =	simm.s32 @!p0 $0x1C01  }
0xf6: {  	[timem:s3], [sflag:s2] =	dma.local @!p0 [hbm:s0], s1  }
0xf7: {  	s0 =	simm.s32 @!p0 $0x1  }
0xf8: {  	_ =	swait.ge @!p0 [sflag:s0], s1  }
0xf9: {  	s1 =	ssub.s32 @!p0 $0x0, s1;
	[sflag:s0] =	ssyncset.done @!p0 $0x0  }
0xfa: {  	[sflag:s0] =	ssyncadd.s32 @!p0 s1  }
0xfb: {  	[bflag:$0x3] =	sbarrier.arrive $0xFFFF  }
0xfc: {  	_ =	shalt  }

</sc_bundles>
